<compile_context>
chip_gen: v7x
topology: tpu7x:2x2x1
jax: 0.10.2.dev20260603
libtpu: 0.0.44.dev20260713+nightly
codegen_flags: <defaults>
</compile_context>

<pallas_src>
import functools

import jax
import jax.numpy as jnp
from jax import lax
from jax.experimental import pallas as pl
from jax.experimental.pallas import tpu as pltpu
from jax.experimental.pallas import tpu_sc as plsc

BPC = 4
NBUF = 4


@functools.lru_cache(maxsize=None)
def _build(batch, fields, dim):
    info = plsc.get_sparse_core_info()
    nw = info.num_cores * info.num_subcores
    nc = info.num_cores

    rows_per_chunk = BPC * fields
    batches_per_w = batch // nw
    chunks_per_w = batches_per_w // BPC
    n_outer = chunks_per_w // NBUF
    rem = chunks_per_w - n_outer * NBUF

    mesh = plsc.VectorSubcoreMesh(core_axis_name="c", subcore_axis_name="s")

    @functools.partial(
        pl.kernel,
        mesh=mesh,
        compiler_params=pltpu.CompilerParams(use_tc_tiling_on_sc=False),
        out_type=jax.ShapeDtypeStruct((batch, 32, 128), jnp.float32),
        scratch_types=[
            pltpu.VMEM((chunks_per_w * rows_per_chunk,), jnp.int32),
            pltpu.VMEM((NBUF, rows_per_chunk, dim), jnp.float32),
        ]
        + [pltpu.SemaphoreType.DMA] * (2 * NBUF),
    )
    def gather_kernel(x_hbm, table_hbm, out_hbm, idx_v, rows_v, *sems):
        gsems, osems = sems[:NBUF], sems[NBUF:]
        wid = lax.axis_index("s") * nc + lax.axis_index("c")
        base_batch = wid * batches_per_w

        def fire_gather(c, b):
            pltpu.async_copy(
                table_hbm.at[idx_v.at[pl.ds(c * rows_per_chunk, rows_per_chunk)]],
                rows_v.at[b],
                gsems[b],
            )

        def wait_gather(c, b):
            pltpu.make_async_copy(
                table_hbm.at[idx_v.at[pl.ds(c * rows_per_chunk, rows_per_chunk)]],
                rows_v.at[b],
                gsems[b],
            ).wait()

        def fire_wb(c, b):
            for k in range(BPC):
                pltpu.async_copy(
                    rows_v.at[b, pl.ds(k * fields, fields)],
                    out_hbm.at[base_batch + c * BPC + k, pl.ds(0, fields), pl.ds(0, dim)],
                    osems[b],
                )

        def wait_wb(c, b):
            for k in range(BPC):
                pltpu.make_async_copy(
                    rows_v.at[b, pl.ds(k * fields, fields)],
                    out_hbm.at[base_batch + c * BPC + k, pl.ds(0, fields), pl.ds(0, dim)],
                    osems[b],
                ).wait()

        rows_per_w = chunks_per_w * rows_per_chunk
        pltpu.sync_copy(x_hbm.at[pl.ds(wid * rows_per_w, rows_per_w)], idx_v)

        for b in range(NBUF):
            fire_gather(b, b)

        def outer(g, carry):
            for b in range(NBUF):
                c = g * NBUF + b
                wait_gather(c, b)
                fire_wb(c, b)
                nxt = c + NBUF

                @pl.when(nxt < chunks_per_w)
                def _():
                    wait_wb(c, b)
                    fire_gather(nxt, b)

            return carry

        lax.fori_loop(0, n_outer, outer, 0)

        for b in range(rem):
            c = n_outer * NBUF + b
            wait_gather(c, b)
            fire_wb(c, b)

        for b in range(NBUF):
            c = chunks_per_w - NBUF + b
            wait_wb(c, b)

    return gather_kernel


def kernel(x, table):
    batch, fields = x.shape
    dim = table.shape[1]
    xf = x.reshape(-1)
    out = _build(batch, fields, dim)(xf, table)
    return out[:, :fields, :dim]

# --- scband reference (transcript-rebuilt; emitter-appended) ---
"""Pipeline reference for scband-user-model-74749610819677 (READ-ONLY COPY).

The authoritative reference and input builder live on the scoring server;
editing this copy changes nothing except your own understanding.
"""

import jax, jax.numpy as jnp
import numpy as np

NUM_EMBEDDINGS = 100000  # sorted(user_ids)[-1] = 99995, len(np.arange(99995)) + 5 = 100000
EMBEDDING_DIM = 64
BATCH = 4096
FIELDS = 26

def setup_inputs(seed: int = 0) -> dict:
    key = jax.random.key(seed)
    k_idx, k_tab = jax.random.split(key)
    x = jax.random.randint(k_idx, (BATCH, FIELDS), 0, NUM_EMBEDDINGS, dtype=jnp.int64 if jax.config.jax_enable_x64 else jnp.int32).astype(jnp.int32)
    # embedding table initialized like torch.nn.Embedding: N(0, 1)
    table = jax.random.normal(k_tab, (NUM_EMBEDDINGS, EMBEDDING_DIM), dtype=jnp.float32)
    return {"x": x, "table": table}

def reference(x, table):
    # UserModel.forward: x = self.embedding(x)
    return jnp.take(table, x, axis=0)

if __name__ == "__main__":
    import jax
    _d = setup_inputs()
    print(jax.jit(kernel)(*tuple(_d.values())))

</pallas_src>

<mosaic_0001>
#map = affine_map<(d0, d1) -> (0)>
#map1 = affine_map<(d0, d1) -> (0, 0)>
#map2 = affine_map<(d0, d1) -> (0, 0, 0)>
module attributes {stable_mosaic.version = 14 : i64} {
  func.func @gather_kernel(%arg0: i32, %arg1: i32, %arg2: memref<106496xi32, #tpu.memory_space<hbm>>, %arg3: memref<100000x64xf32, #tpu.memory_space<hbm>>, %arg4: memref<4096x32x128xf32, #tpu.memory_space<hbm>>, %arg5: memref<3328xi32, #tpu.memory_space<vmem>>, %arg6: memref<4x104x64xf32, #tpu.memory_space<vmem>>, %arg7: memref<!tpu.dma_semaphore, #tpu.memory_space<semaphore_mem>>, %arg8: memref<!tpu.dma_semaphore, #tpu.memory_space<semaphore_mem>>, %arg9: memref<!tpu.dma_semaphore, #tpu.memory_space<semaphore_mem>>, %arg10: memref<!tpu.dma_semaphore, #tpu.memory_space<semaphore_mem>>, %arg11: memref<!tpu.dma_semaphore, #tpu.memory_space<semaphore_mem>>, %arg12: memref<!tpu.dma_semaphore, #tpu.memory_space<semaphore_mem>>, %arg13: memref<!tpu.dma_semaphore, #tpu.memory_space<semaphore_mem>>, %arg14: memref<!tpu.dma_semaphore, #tpu.memory_space<semaphore_mem>>) attributes {dimension_semantics = [#tpu.dimension_semantics<core_parallel>, #tpu.dimension_semantics<subcore_parallel>], iteration_bounds = array<i64: 2, 16>, scalar_prefetch = 0 : i64, scratch_operands = 10 : i64, tpu.core_type = #tpu.core_type<sc_vector_subcore>, window_params = [{transform_indices = #map}, {transform_indices = #map1}, {transform_indices = #map2}]} {
    %mul3A = arith.constant 2 : i32
    %mul3A_0 = arith.muli %arg1, %mul3A : i32
    %add3A = arith.addi %mul3A_0, %arg0 : i32
    %mul3A_1 = arith.constant 128 : i32
    %mul3A_2 = arith.muli %add3A, %mul3A_1 : i32
    %mul3A_3 = arith.constant 3328 : i32
    %mul3A_4 = arith.muli %add3A, %mul3A_3 : i32
    "tpu.region"() ({
      %run_scoped3A = tpu.sem_alloc : memref<!tpu.dma_semaphore, #tpu.memory_space<semaphore_mem>>
      %dma_start3A_384 = tpu.memref_slice %arg2[%mul3A_4] : memref<106496xi32, #tpu.memory_space<hbm>> -> memref<3328xi32, #tpu.memory_space<hbm>>
      %dma_start3A_385 = tpu.memref_slice %arg2[%mul3A_4] : memref<106496xi32, #tpu.memory_space<hbm>> -> memref<3328xi32, #tpu.memory_space<hbm>>
      tpu.enqueue_dma source(%dma_start3A_385 : memref<3328xi32, #tpu.memory_space<hbm>>) target(%arg5 : memref<3328xi32, #tpu.memory_space<vmem>>) target_semaphore(%run_scoped3A : memref<!tpu.dma_semaphore, #tpu.memory_space<semaphore_mem>>)
      %dma_wait3A_386 = tpu.memref_slice %arg2[%mul3A_4] : memref<106496xi32, #tpu.memory_space<hbm>> -> memref<3328xi32, #tpu.memory_space<hbm>>
      %dma_wait3A_387 = tpu.memref_slice %arg2[%mul3A_4] : memref<106496xi32, #tpu.memory_space<hbm>> -> memref<3328xi32, #tpu.memory_space<hbm>>
      tpu.wait_dma2 semaphore(%run_scoped3A : memref<!tpu.dma_semaphore, #tpu.memory_space<semaphore_mem>>) src(%dma_wait3A_387 : memref<3328xi32, #tpu.memory_space<hbm>>) dst(%arg5 : memref<3328xi32, #tpu.memory_space<vmem>>)
      tpu.yield
    }) : () -> ()
    %dma_start3A = arith.constant 0 : i32
    %dma_start3A_5 = arith.constant 0 : i32
    %dma_start3A_6 = arith.constant 0 : i32
    %dma_start3A_7 = tpu.memref_slice %arg6[%dma_start3A, %dma_start3A_5, %dma_start3A_6] : memref<4x104x64xf32, #tpu.memory_space<vmem>> -> memref<1x104x64xf32, #tpu.memory_space<vmem>>
    %dma_start3A_8 = tpu.memref_squeeze %dma_start3A_7 : memref<1x104x64xf32, #tpu.memory_space<vmem>> -> memref<104x64xf32, #tpu.memory_space<vmem>>
    %dma_start3A_9 = arith.constant 0 : i32
    %dma_start3A_10 = tpu.memref_slice %arg5[%dma_start3A_9] : memref<3328xi32, #tpu.memory_space<vmem>> -> memref<104xi32, #tpu.memory_space<vmem>>
    %dma_start3A_11 = arith.constant 0 : i32
    %dma_start3A_12 = arith.constant 0 : i32
    %dma_start3A_13 = tpu.memref_slice %arg3[%dma_start3A_11, %dma_start3A_12] : memref<100000x64xf32, #tpu.memory_space<hbm>> -> memref<100000x64xf32, #tpu.memory_space<hbm>>
    tpu.enqueue_indirect_dma source(%dma_start3A_13 : memref<100000x64xf32, #tpu.memory_space<hbm>>) target(%dma_start3A_8 : memref<104x64xf32, #tpu.memory_space<vmem>>) offsets(%dma_start3A_10 : memref<104xi32, #tpu.memory_space<vmem>>) semaphore(%arg7 : memref<!tpu.dma_semaphore, #tpu.memory_space<semaphore_mem>>)
    %dma_start3A_14 = arith.constant 1 : i32
    %dma_start3A_15 = arith.constant 0 : i32
    %dma_start3A_16 = arith.constant 0 : i32
    %dma_start3A_17 = tpu.memref_slice %arg6[%dma_start3A_14, %dma_start3A_15, %dma_start3A_16] : memref<4x104x64xf32, #tpu.memory_space<vmem>> -> memref<1x104x64xf32, #tpu.memory_space<vmem>>
    %dma_start3A_18 = tpu.memref_squeeze %dma_start3A_17 : memref<1x104x64xf32, #tpu.memory_space<vmem>> -> memref<104x64xf32, #tpu.memory_space<vmem>>
    %dma_start3A_19 = arith.constant 104 : i32
    %dma_start3A_20 = tpu.memref_slice %arg5[%dma_start3A_19] : memref<3328xi32, #tpu.memory_space<vmem>> -> memref<104xi32, #tpu.memory_space<vmem>>
    %dma_start3A_21 = arith.constant 0 : i32
    %dma_start3A_22 = arith.constant 0 : i32
    %dma_start3A_23 = tpu.memref_slice %arg3[%dma_start3A_21, %dma_start3A_22] : memref<100000x64xf32, #tpu.memory_space<hbm>> -> memref<100000x64xf32, #tpu.memory_space<hbm>>
    tpu.enqueue_indirect_dma source(%dma_start3A_23 : memref<100000x64xf32, #tpu.memory_space<hbm>>) target(%dma_start3A_18 : memref<104x64xf32, #tpu.memory_space<vmem>>) offsets(%dma_start3A_20 : memref<104xi32, #tpu.memory_space<vmem>>) semaphore(%arg8 : memref<!tpu.dma_semaphore, #tpu.memory_space<semaphore_mem>>)
    %dma_start3A_24 = arith.constant 2 : i32
    %dma_start3A_25 = arith.constant 0 : i32
    %dma_start3A_26 = arith.constant 0 : i32
    %dma_start3A_27 = tpu.memref_slice %arg6[%dma_start3A_24, %dma_start3A_25, %dma_start3A_26] : memref<4x104x64xf32, #tpu.memory_space<vmem>> -> memref<1x104x64xf32, #tpu.memory_space<vmem>>
    %dma_start3A_28 = tpu.memref_squeeze %dma_start3A_27 : memref<1x104x64xf32, #tpu.memory_space<vmem>> -> memref<104x64xf32, #tpu.memory_space<vmem>>
    %dma_start3A_29 = arith.constant 208 : i32
    %dma_start3A_30 = tpu.memref_slice %arg5[%dma_start3A_29] : memref<3328xi32, #tpu.memory_space<vmem>> -> memref<104xi32, #tpu.memory_space<vmem>>
    %dma_start3A_31 = arith.constant 0 : i32
    %dma_start3A_32 = arith.constant 0 : i32
    %dma_start3A_33 = tpu.memref_slice %arg3[%dma_start3A_31, %dma_start3A_32] : memref<100000x64xf32, #tpu.memory_space<hbm>> -> memref<100000x64xf32, #tpu.memory_space<hbm>>
    tpu.enqueue_indirect_dma source(%dma_start3A_33 : memref<100000x64xf32, #tpu.memory_space<hbm>>) target(%dma_start3A_28 : memref<104x64xf32, #tpu.memory_space<vmem>>) offsets(%dma_start3A_30 : memref<104xi32, #tpu.memory_space<vmem>>) semaphore(%arg9 : memref<!tpu.dma_semaphore, #tpu.memory_space<semaphore_mem>>)
    %dma_start3A_34 = arith.constant 3 : i32
    %dma_start3A_35 = arith.constant 0 : i32
    %dma_start3A_36 = arith.constant 0 : i32
    %dma_start3A_37 = tpu.memref_slice %arg6[%dma_start3A_34, %dma_start3A_35, %dma_start3A_36] : memref<4x104x64xf32, #tpu.memory_space<vmem>> -> memref<1x104x64xf32, #tpu.memory_space<vmem>>
    %dma_start3A_38 = tpu.memref_squeeze %dma_start3A_37 : memref<1x104x64xf32, #tpu.memory_space<vmem>> -> memref<104x64xf32, #tpu.memory_space<vmem>>
    %dma_start3A_39 = arith.constant 312 : i32
    %dma_start3A_40 = tpu.memref_slice %arg5[%dma_start3A_39] : memref<3328xi32, #tpu.memory_space<vmem>> -> memref<104xi32, #tpu.memory_space<vmem>>
    %dma_start3A_41 = arith.constant 0 : i32
    %dma_start3A_42 = arith.constant 0 : i32
    %dma_start3A_43 = tpu.memref_slice %arg3[%dma_start3A_41, %dma_start3A_42] : memref<100000x64xf32, #tpu.memory_space<hbm>> -> memref<100000x64xf32, #tpu.memory_space<hbm>>
    tpu.enqueue_indirect_dma source(%dma_start3A_43 : memref<100000x64xf32, #tpu.memory_space<hbm>>) target(%dma_start3A_38 : memref<104x64xf32, #tpu.memory_space<vmem>>) offsets(%dma_start3A_40 : memref<104xi32, #tpu.memory_space<vmem>>) semaphore(%arg10 : memref<!tpu.dma_semaphore, #tpu.memory_space<semaphore_mem>>)
    %scan3A = arith.constant 0 : i32
    %scan3A_44 = arith.constant 0 : i32
    %scan3A_45 = arith.constant 8 : i32
    %scan3A_46 = arith.addi %scan3A_44, %scan3A_45 : i32
    %scan3A_47 = arith.constant 1 : i32
    scf.for %scan3A_384 = %scan3A_44 to %scan3A_46 step %scan3A_47  : i32 {
      %mul3A_385 = arith.constant 4 : i32
      %mul3A_386 = arith.muli %scan3A_384, %mul3A_385 : i32
      %add3A_387 = arith.constant 0 : i32
      %add3A_388 = arith.addi %mul3A_386, %add3A_387 : i32
      %mul3A_389 = arith.constant 104 : i32
      %mul3A_390 = arith.muli %add3A_388, %mul3A_389 : i32
      %dma_wait3A_391 = arith.constant 0 : i32
      %dma_wait3A_392 = arith.constant 0 : i32
      %dma_wait3A_393 = arith.constant 0 : i32
      %dma_wait3A_394 = tpu.memref_slice %arg6[%dma_wait3A_391, %dma_wait3A_392, %dma_wait3A_393] : memref<4x104x64xf32, #tpu.memory_space<vmem>> -> memref<1x104x64xf32, #tpu.memory_space<vmem>>
      %dma_wait3A_395 = tpu.memref_squeeze %dma_wait3A_394 : memref<1x104x64xf32, #tpu.memory_space<vmem>> -> memref<104x64xf32, #tpu.memory_space<vmem>>
      %dma_wait3A_396 = tpu.memref_slice %arg5[%mul3A_390] : memref<3328xi32, #tpu.memory_space<vmem>> -> memref<104xi32, #tpu.memory_space<vmem>>
      %dma_wait3A_397 = arith.constant 0 : i32
      %dma_wait3A_398 = arith.constant 0 : i32
      %dma_wait3A_399 = tpu.memref_slice %arg3[%dma_wait3A_397, %dma_wait3A_398] : memref<100000x64xf32, #tpu.memory_space<hbm>> -> memref<100000x64xf32, #tpu.memory_space<hbm>>
      tpu.wait_indirect_dma semaphore(%arg7 : memref<!tpu.dma_semaphore, #tpu.memory_space<semaphore_mem>>) src(%dma_wait3A_399 : memref<100000x64xf32, #tpu.memory_space<hbm>>) dst(%dma_wait3A_395 : memref<104x64xf32, #tpu.memory_space<vmem>>)
      %mul3A_400 = arith.constant 4 : i32
      %mul3A_401 = arith.muli %add3A_388, %mul3A_400 : i32
      %add3A_402 = arith.addi %mul3A_2, %mul3A_401 : i32
      %add3A_403 = arith.constant 0 : i32
      %add3A_404 = arith.addi %add3A_402, %add3A_403 : i32
      %dma_start3A_405 = arith.constant 0 : i32
      %dma_start3A_406 = arith.constant 0 : i32
      %dma_start3A_407 = arith.constant 0 : i32
      %dma_start3A_408 = tpu.memref_slice %arg6[%dma_start3A_405, %dma_start3A_406, %dma_start3A_407] : memref<4x104x64xf32, #tpu.memory_space<vmem>> -> memref<1x26x64xf32, #tpu.memory_space<vmem>>
      %dma_start3A_409 = tpu.memref_squeeze %dma_start3A_408 : memref<1x26x64xf32, #tpu.memory_space<vmem>> -> memref<26x64xf32, #tpu.memory_space<vmem>>
      %dma_start3A_410 = arith.constant 0 : i32
      %dma_start3A_411 = arith.constant 0 : i32
      %dma_start3A_412 = tpu.memref_slice %arg4[%add3A_404, %dma_start3A_410, %dma_start3A_411] : memref<4096x32x128xf32, #tpu.memory_space<hbm>> -> memref<1x26x64xf32, #tpu.memory_space<hbm>>
      %dma_start3A_413 = tpu.memref_squeeze %dma_start3A_412 : memref<1x26x64xf32, #tpu.memory_space<hbm>> -> memref<26x64xf32, #tpu.memory_space<hbm>>
      %dma_start3A_414 = arith.constant 0 : i32
      %dma_start3A_415 = arith.constant 0 : i32
      %dma_start3A_416 = tpu.memref_slice %arg4[%add3A_404, %dma_start3A_414, %dma_start3A_415] : memref<4096x32x128xf32, #tpu.memory_space<hbm>> -> memref<1x26x64xf32, #tpu.memory_space<hbm>>
      %dma_start3A_417 = tpu.memref_squeeze %dma_start3A_416 : memref<1x26x64xf32, #tpu.memory_space<hbm>> -> memref<26x64xf32, #tpu.memory_space<hbm>>
      %dma_start3A_418 = arith.constant 0 : i32
      %dma_start3A_419 = arith.constant 0 : i32
      %dma_start3A_420 = tpu.memref_slice %arg6[%dma_start3A_405, %dma_start3A_418, %dma_start3A_419] : memref<4x104x64xf32, #tpu.memory_space<vmem>> -> memref<1x26x64xf32, #tpu.memory_space<vmem>>
      %dma_start3A_421 = tpu.memref_squeeze %dma_start3A_420 : memref<1x26x64xf32, #tpu.memory_space<vmem>> -> memref<26x64xf32, #tpu.memory_space<vmem>>
      tpu.enqueue_dma source(%dma_start3A_421 : memref<26x64xf32, #tpu.memory_space<vmem>>) target(%dma_start3A_417 : memref<26x64xf32, #tpu.memory_space<hbm>>) target_semaphore(%arg11 : memref<!tpu.dma_semaphore, #tpu.memory_space<semaphore_mem>>)
      %mul3A_422 = arith.constant 4 : i32
      %mul3A_423 = arith.muli %add3A_388, %mul3A_422 : i32
      %add3A_424 = arith.addi %mul3A_2, %mul3A_423 : i32
      %add3A_425 = arith.constant 1 : i32
      %add3A_426 = arith.addi %add3A_424, %add3A_425 : i32
      %dma_start3A_427 = arith.constant 0 : i32
      %dma_start3A_428 = arith.constant 26 : i32
      %dma_start3A_429 = arith.constant 0 : i32
      %dma_start3A_430 = tpu.memref_slice %arg6[%dma_start3A_427, %dma_start3A_428, %dma_start3A_429] : memref<4x104x64xf32, #tpu.memory_space<vmem>> -> memref<1x26x64xf32, #tpu.memory_space<vmem>>
      %dma_start3A_431 = tpu.memref_squeeze %dma_start3A_430 : memref<1x26x64xf32, #tpu.memory_space<vmem>> -> memref<26x64xf32, #tpu.memory_space<vmem>>
      %dma_start3A_432 = arith.constant 0 : i32
      %dma_start3A_433 = arith.constant 0 : i32
      %dma_start3A_434 = tpu.memref_slice %arg4[%add3A_426, %dma_start3A_432, %dma_start3A_433] : memref<4096x32x128xf32, #tpu.memory_space<hbm>> -> memref<1x26x64xf32, #tpu.memory_space<hbm>>
      %dma_start3A_435 = tpu.memref_squeeze %dma_start3A_434 : memref<1x26x64xf32, #tpu.memory_space<hbm>> -> memref<26x64xf32, #tpu.memory_space<hbm>>
      %dma_start3A_436 = arith.constant 0 : i32
      %dma_start3A_437 = arith.constant 0 : i32
      %dma_start3A_438 = tpu.memref_slice %arg4[%add3A_426, %dma_start3A_436, %dma_start3A_437] : memref<4096x32x128xf32, #tpu.memory_space<hbm>> -> memref<1x26x64xf32, #tpu.memory_space<hbm>>
      %dma_start3A_439 = tpu.memref_squeeze %dma_start3A_438 : memref<1x26x64xf32, #tpu.memory_space<hbm>> -> memref<26x64xf32, #tpu.memory_space<hbm>>
      %dma_start3A_440 = arith.constant 26 : i32
      %dma_start3A_441 = arith.constant 0 : i32
      %dma_start3A_442 = tpu.memref_slice %arg6[%dma_start3A_427, %dma_start3A_440, %dma_start3A_441] : memref<4x104x64xf32, #tpu.memory_space<vmem>> -> memref<1x26x64xf32, #tpu.memory_space<vmem>>
      %dma_start3A_443 = tpu.memref_squeeze %dma_start3A_442 : memref<1x26x64xf32, #tpu.memory_space<vmem>> -> memref<26x64xf32, #tpu.memory_space<vmem>>
      tpu.enqueue_dma source(%dma_start3A_443 : memref<26x64xf32, #tpu.memory_space<vmem>>) target(%dma_start3A_439 : memref<26x64xf32, #tpu.memory_space<hbm>>) target_semaphore(%arg11 : memref<!tpu.dma_semaphore, #tpu.memory_space<semaphore_mem>>)
      %mul3A_444 = arith.constant 4 : i32
      %mul3A_445 = arith.muli %add3A_388, %mul3A_444 : i32
      %add3A_446 = arith.addi %mul3A_2, %mul3A_445 : i32
      %add3A_447 = arith.constant 2 : i32
      %add3A_448 = arith.addi %add3A_446, %add3A_447 : i32
      %dma_start3A_449 = arith.constant 0 : i32
      %dma_start3A_450 = arith.constant 52 : i32
      %dma_start3A_451 = arith.constant 0 : i32
      %dma_start3A_452 = tpu.memref_slice %arg6[%dma_start3A_449, %dma_start3A_450, %dma_start3A_451] : memref<4x104x64xf32, #tpu.memory_space<vmem>> -> memref<1x26x64xf32, #tpu.memory_space<vmem>>
      %dma_start3A_453 = tpu.memref_squeeze %dma_start3A_452 : memref<1x26x64xf32, #tpu.memory_space<vmem>> -> memref<26x64xf32, #tpu.memory_space<vmem>>
      %dma_start3A_454 = arith.constant 0 : i32
      %dma_start3A_455 = arith.constant 0 : i32
      %dma_start3A_456 = tpu.memref_slice %arg4[%add3A_448, %dma_start3A_454, %dma_start3A_455] : memref<4096x32x128xf32, #tpu.memory_space<hbm>> -> memref<1x26x64xf32, #tpu.memory_space<hbm>>
      %dma_start3A_457 = tpu.memref_squeeze %dma_start3A_456 : memref<1x26x64xf32, #tpu.memory_space<hbm>> -> memref<26x64xf32, #tpu.memory_space<hbm>>
      %dma_start3A_458 = arith.constant 0 : i32
      %dma_start3A_459 = arith.constant 0 : i32
      %dma_start3A_460 = tpu.memref_slice %arg4[%add3A_448, %dma_start3A_458, %dma_start3A_459] : memref<4096x32x128xf32, #tpu.memory_space<hbm>> -> memref<1x26x64xf32, #tpu.memory_space<hbm>>
      %dma_start3A_461 = tpu.memref_squeeze %dma_start3A_460 : memref<1x26x64xf32, #tpu.memory_space<hbm>> -> memref<26x64xf32, #tpu.memory_space<hbm>>
      %dma_start3A_462 = arith.constant 52 : i32
      %dma_start3A_463 = arith.constant 0 : i32
      %dma_start3A_464 = tpu.memref_slice %arg6[%dma_start3A_449, %dma_start3A_462, %dma_start3A_463] : memref<4x104x64xf32, #tpu.memory_space<vmem>> -> memref<1x26x64xf32, #tpu.memory_space<vmem>>
      %dma_start3A_465 = tpu.memref_squeeze %dma_start3A_464 : memref<1x26x64xf32, #tpu.memory_space<vmem>> -> memref<26x64xf32, #tpu.memory_space<vmem>>
      tpu.enqueue_dma source(%dma_start3A_465 : memref<26x64xf32, #tpu.memory_space<vmem>>) target(%dma_start3A_461 : memref<26x64xf32, #tpu.memory_space<hbm>>) target_semaphore(%arg11 : memref<!tpu.dma_semaphore, #tpu.memory_space<semaphore_mem>>)
      %mul3A_466 = arith.constant 4 : i32
      %mul3A_467 = arith.muli %add3A_388, %mul3A_466 : i32
      %add3A_468 = arith.addi %mul3A_2, %mul3A_467 : i32
      %add3A_469 = arith.constant 3 : i32
      %add3A_470 = arith.addi %add3A_468, %add3A_469 : i32
      %dma_start3A_471 = arith.constant 0 : i32
      %dma_start3A_472 = arith.constant 78 : i32
      %dma_start3A_473 = arith.constant 0 : i32
      %dma_start3A_474 = tpu.memref_slice %arg6[%dma_start3A_471, %dma_start3A_472, %dma_start3A_473] : memref<4x104x64xf32, #tpu.memory_space<vmem>> -> memref<1x26x64xf32, #tpu.memory_space<vmem>>
      %dma_start3A_475 = tpu.memref_squeeze %dma_start3A_474 : memref<1x26x64xf32, #tpu.memory_space<vmem>> -> memref<26x64xf32, #tpu.memory_space<vmem>>
      %dma_start3A_476 = arith.constant 0 : i32
      %dma_start3A_477 = arith.constant 0 : i32
      %dma_start3A_478 = tpu.memref_slice %arg4[%add3A_470, %dma_start3A_476, %dma_start3A_477] : memref<4096x32x128xf32, #tpu.memory_space<hbm>> -> memref<1x26x64xf32, #tpu.memory_space<hbm>>
      %dma_start3A_479 = tpu.memref_squeeze %dma_start3A_478 : memref<1x26x64xf32, #tpu.memory_space<hbm>> -> memref<26x64xf32, #tpu.memory_space<hbm>>
      %dma_start3A_480 = arith.constant 0 : i32
      %dma_start3A_481 = arith.constant 0 : i32
      %dma_start3A_482 = tpu.memref_slice %arg4[%add3A_470, %dma_start3A_480, %dma_start3A_481] : memref<4096x32x128xf32, #tpu.memory_space<hbm>> -> memref<1x26x64xf32, #tpu.memory_space<hbm>>
      %dma_start3A_483 = tpu.memref_squeeze %dma_start3A_482 : memref<1x26x64xf32, #tpu.memory_space<hbm>> -> memref<26x64xf32, #tpu.memory_space<hbm>>
      %dma_start3A_484 = arith.constant 78 : i32
      %dma_start3A_485 = arith.constant 0 : i32
      %dma_start3A_486 = tpu.memref_slice %arg6[%dma_start3A_471, %dma_start3A_484, %dma_start3A_485] : memref<4x104x64xf32, #tpu.memory_space<vmem>> -> memref<1x26x64xf32, #tpu.memory_space<vmem>>
      %dma_start3A_487 = tpu.memref_squeeze %dma_start3A_486 : memref<1x26x64xf32, #tpu.memory_space<vmem>> -> memref<26x64xf32, #tpu.memory_space<vmem>>
      tpu.enqueue_dma source(%dma_start3A_487 : memref<26x64xf32, #tpu.memory_space<vmem>>) target(%dma_start3A_483 : memref<26x64xf32, #tpu.memory_space<hbm>>) target_semaphore(%arg11 : memref<!tpu.dma_semaphore, #tpu.memory_space<semaphore_mem>>)
      %add3A_488 = arith.constant 4 : i32
      %add3A_489 = arith.addi %add3A_388, %add3A_488 : i32
      %lt3A = arith.constant 32 : i32
      %lt3A_490 = arith.cmpi slt, %add3A_489, %lt3A : i32
      %convert_element_type3A = arith.extui %lt3A_490 : i1 to i32
      %cond3A = arith.constant 0 : i32
      %cond3A_491 = arith.cmpi ne, %convert_element_type3A, %cond3A : i32
      scf.if %cond3A_491 {
        %mul3A_822 = arith.constant 4 : i32
        %mul3A_823 = arith.muli %add3A_388, %mul3A_822 : i32
        %add3A_824 = arith.addi %mul3A_2, %mul3A_823 : i32
        %add3A_825 = arith.constant 0 : i32
        %add3A_826 = arith.addi %add3A_824, %add3A_825 : i32
        %dma_wait3A_827 = arith.constant 0 : i32
        %dma_wait3A_828 = arith.constant 0 : i32
        %dma_wait3A_829 = arith.constant 0 : i32
        %dma_wait3A_830 = tpu.memref_slice %arg6[%dma_wait3A_827, %dma_wait3A_828, %dma_wait3A_829] : memref<4x104x64xf32, #tpu.memory_space<vmem>> -> memref<1x26x64xf32, #tpu.memory_space<vmem>>
        %dma_wait3A_831 = tpu.memref_squeeze %dma_wait3A_830 : memref<1x26x64xf32, #tpu.memory_space<vmem>> -> memref<26x64xf32, #tpu.memory_space<vmem>>
        %dma_wait3A_832 = arith.constant 0 : i32
        %dma_wait3A_833 = arith.constant 0 : i32
        %dma_wait3A_834 = tpu.memref_slice %arg4[%add3A_826, %dma_wait3A_832, %dma_wait3A_833] : memref<4096x32x128xf32, #tpu.memory_space<hbm>> -> memref<1x26x64xf32, #tpu.memory_space<hbm>>
        %dma_wait3A_835 = tpu.memref_squeeze %dma_wait3A_834 : memref<1x26x64xf32, #tpu.memory_space<hbm>> -> memref<26x64xf32, #tpu.memory_space<hbm>>
        %dma_wait3A_836 = arith.constant 0 : i32
        %dma_wait3A_837 = arith.constant 0 : i32
        %dma_wait3A_838 = tpu.memref_slice %arg4[%add3A_826, %dma_wait3A_836, %dma_wait3A_837] : memref<4096x32x128xf32, #tpu.memory_space<hbm>> -> memref<1x26x64xf32, #tpu.memory_space<hbm>>
        %dma_wait3A_839 = tpu.memref_squeeze %dma_wait3A_838 : memref<1x26x64xf32, #tpu.memory_space<hbm>> -> memref<26x64xf32, #tpu.memory_space<hbm>>
        %dma_wait3A_840 = arith.constant 0 : i32
        %dma_wait3A_841 = arith.constant 0 : i32
        %dma_wait3A_842 = tpu.memref_slice %arg6[%dma_wait3A_827, %dma_wait3A_840, %dma_wait3A_841] : memref<4x104x64xf32, #tpu.memory_space<vmem>> -> memref<1x26x64xf32, #tpu.memory_space<vmem>>
        %dma_wait3A_843 = tpu.memref_squeeze %dma_wait3A_842 : memref<1x26x64xf32, #tpu.memory_space<vmem>> -> memref<26x64xf32, #tpu.memory_space<vmem>>
        tpu.wait_dma2 semaphore(%arg11 : memref<!tpu.dma_semaphore, #tpu.memory_space<semaphore_mem>>) src(%dma_wait3A_843 : memref<26x64xf32, #tpu.memory_space<vmem>>) dst(%dma_wait3A_839 : memref<26x64xf32, #tpu.memory_space<hbm>>)
        %mul3A_844 = arith.constant 4 : i32
        %mul3A_845 = arith.muli %add3A_388, %mul3A_844 : i32
        %add3A_846 = arith.addi %mul3A_2, %mul3A_845 : i32
        %add3A_847 = arith.constant 1 : i32
        %add3A_848 = arith.addi %add3A_846, %add3A_847 : i32
        %dma_wait3A_849 = arith.constant 0 : i32
        %dma_wait3A_850 = arith.constant 26 : i32
        %dma_wait3A_851 = arith.constant 0 : i32
        %dma_wait3A_852 = tpu.memref_slice %arg6[%dma_wait3A_849, %dma_wait3A_850, %dma_wait3A_851] : memref<4x104x64xf32, #tpu.memory_space<vmem>> -> memref<1x26x64xf32, #tpu.memory_space<vmem>>
        %dma_wait3A_853 = tpu.memref_squeeze %dma_wait3A_852 : memref<1x26x64xf32, #tpu.memory_space<vmem>> -> memref<26x64xf32, #tpu.memory_space<vmem>>
        %dma_wait3A_854 = arith.constant 0 : i32
        %dma_wait3A_855 = arith.constant 0 : i32
        %dma_wait3A_856 = tpu.memref_slice %arg4[%add3A_848, %dma_wait3A_854, %dma_wait3A_855] : memref<4096x32x128xf32, #tpu.memory_space<hbm>> -> memref<1x26x64xf32, #tpu.memory_space<hbm>>
        %dma_wait3A_857 = tpu.memref_squeeze %dma_wait3A_856 : memref<1x26x64xf32, #tpu.memory_space<hbm>> -> memref<26x64xf32, #tpu.memory_space<hbm>>
        %dma_wait3A_858 = arith.constant 0 : i32
        %dma_wait3A_859 = arith.constant 0 : i32
        %dma_wait3A_860 = tpu.memref_slice %arg4[%add3A_848, %dma_wait3A_858, %dma_wait3A_859] : memref<4096x32x128xf32, #tpu.memory_space<hbm>> -> memref<1x26x64xf32, #tpu.memory_space<hbm>>
        %dma_wait3A_861 = tpu.memref_squeeze %dma_wait3A_860 : memref<1x26x64xf32, #tpu.memory_space<hbm>> -> memref<26x64xf32, #tpu.memory_space<hbm>>
        %dma_wait3A_862 = arith.constant 26 : i32
        %dma_wait3A_863 = arith.constant 0 : i32
        %dma_wait3A_864 = tpu.memref_slice %arg6[%dma_wait3A_849, %dma_wait3A_862, %dma_wait3A_863] : memref<4x104x64xf32, #tpu.memory_space<vmem>> -> memref<1x26x64xf32, #tpu.memory_space<vmem>>
        %dma_wait3A_865 = tpu.memref_squeeze %dma_wait3A_864 : memref<1x26x64xf32, #tpu.memory_space<vmem>> -> memref<26x64xf32, #tpu.memory_space<vmem>>
        tpu.wait_dma2 semaphore(%arg11 : memref<!tpu.dma_semaphore, #tpu.memory_space<semaphore_mem>>) src(%dma_wait3A_865 : memref<26x64xf32, #tpu.memory_space<vmem>>) dst(%dma_wait3A_861 : memref<26x64xf32, #tpu.memory_space<hbm>>)
        %mul3A_866 = arith.constant 4 : i32
        %mul3A_867 = arith.muli %add3A_388, %mul3A_866 : i32
        %add3A_868 = arith.addi %mul3A_2, %mul3A_867 : i32
        %add3A_869 = arith.constant 2 : i32
        %add3A_870 = arith.addi %add3A_868, %add3A_869 : i32
        %dma_wait3A_871 = arith.constant 0 : i32
        %dma_wait3A_872 = arith.constant 52 : i32
        %dma_wait3A_873 = arith.constant 0 : i32
        %dma_wait3A_874 = tpu.memref_slice %arg6[%dma_wait3A_871, %dma_wait3A_872, %dma_wait3A_873] : memref<4x104x64xf32, #tpu.memory_space<vmem>> -> memref<1x26x64xf32, #tpu.memory_space<vmem>>
        %dma_wait3A_875 = tpu.memref_squeeze %dma_wait3A_874 : memref<1x26x64xf32, #tpu.memory_space<vmem>> -> memref<26x64xf32, #tpu.memory_space<vmem>>
        %dma_wait3A_876 = arith.constant 0 : i32
        %dma_wait3A_877 = arith.constant 0 : i32
        %dma_wait3A_878 = tpu.memref_slice %arg4[%add3A_870, %dma_wait3A_876, %dma_wait3A_877] : memref<4096x32x128xf32, #tpu.memory_space<hbm>> -> memref<1x26x64xf32, #tpu.memory_space<hbm>>
        %dma_wait3A_879 = tpu.memref_squeeze %dma_wait3A_878 : memref<1x26x64xf32, #tpu.memory_space<hbm>> -> memref<26x64xf32, #tpu.memory_space<hbm>>
        %dma_wait3A_880 = arith.constant 0 : i32
        %dma_wait3A_881 = arith.constant 0 : i32
        %dma_wait3A_882 = tpu.memref_slice %arg4[%add3A_870, %dma_wait3A_880, %dma_wait3A_881] : memref<4096x32x128xf32, #tpu.memory_space<hbm>> -> memref<1x26x64xf32, #tpu.memory_space<hbm>>
        %dma_wait3A_883 = tpu.memref_squeeze %dma_wait3A_882 : memref<1x26x64xf32, #tpu.memory_space<hbm>> -> memref<26x64xf32, #tpu.memory_space<hbm>>
        %dma_wait3A_884 = arith.constant 52 : i32
        %dma_wait3A_885 = arith.constant 0 : i32
        %dma_wait3A_886 = tpu.memref_slice %arg6[%dma_wait3A_871, %dma_wait3A_884, %dma_wait3A_885] : memref<4x104x64xf32, #tpu.memory_space<vmem>> -> memref<1x26x64xf32, #tpu.memory_space<vmem>>
        %dma_wait3A_887 = tpu.memref_squeeze %dma_wait3A_886 : memref<1x26x64xf32, #tpu.memory_space<vmem>> -> memref<26x64xf32, #tpu.memory_space<vmem>>
        tpu.wait_dma2 semaphore(%arg11 : memref<!tpu.dma_semaphore, #tpu.memory_space<semaphore_mem>>) src(%dma_wait3A_887 : memref<26x64xf32, #tpu.memory_space<vmem>>) dst(%dma_wait3A_883 : memref<26x64xf32, #tpu.memory_space<hbm>>)
        %mul3A_888 = arith.constant 4 : i32
        %mul3A_889 = arith.muli %add3A_388, %mul3A_888 : i32
        %add3A_890 = arith.addi %mul3A_2, %mul3A_889 : i32
        %add3A_891 = arith.constant 3 : i32
        %add3A_892 = arith.addi %add3A_890, %add3A_891 : i32
        %dma_wait3A_893 = arith.constant 0 : i32
        %dma_wait3A_894 = arith.constant 78 : i32
        %dma_wait3A_895 = arith.constant 0 : i32
        %dma_wait3A_896 = tpu.memref_slice %arg6[%dma_wait3A_893, %dma_wait3A_894, %dma_wait3A_895] : memref<4x104x64xf32, #tpu.memory_space<vmem>> -> memref<1x26x64xf32, #tpu.memory_space<vmem>>
        %dma_wait3A_897 = tpu.memref_squeeze %dma_wait3A_896 : memref<1x26x64xf32, #tpu.memory_space<vmem>> -> memref<26x64xf32, #tpu.memory_space<vmem>>
        %dma_wait3A_898 = arith.constant 0 : i32
        %dma_wait3A_899 = arith.constant 0 : i32
        %dma_wait3A_900 = tpu.memref_slice %arg4[%add3A_892, %dma_wait3A_898, %dma_wait3A_899] : memref<4096x32x128xf32, #tpu.memory_space<hbm>> -> memref<1x26x64xf32, #tpu.memory_space<hbm>>
        %dma_wait3A_901 = tpu.memref_squeeze %dma_wait3A_900 : memref<1x26x64xf32, #tpu.memory_space<hbm>> -> memref<26x64xf32, #tpu.memory_space<hbm>>
        %dma_wait3A_902 = arith.constant 0 : i32
        %dma_wait3A_903 = arith.constant 0 : i32
        %dma_wait3A_904 = tpu.memref_slice %arg4[%add3A_892, %dma_wait3A_902, %dma_wait3A_903] : memref<4096x32x128xf32, #tpu.memory_space<hbm>> -> memref<1x26x64xf32, #tpu.memory_space<hbm>>
        %dma_wait3A_905 = tpu.memref_squeeze %dma_wait3A_904 : memref<1x26x64xf32, #tpu.memory_space<hbm>> -> memref<26x64xf32, #tpu.memory_space<hbm>>
        %dma_wait3A_906 = arith.constant 78 : i32
        %dma_wait3A_907 = arith.constant 0 : i32
        %dma_wait3A_908 = tpu.memref_slice %arg6[%dma_wait3A_893, %dma_wait3A_906, %dma_wait3A_907] : memref<4x104x64xf32, #tpu.memory_space<vmem>> -> memref<1x26x64xf32, #tpu.memory_space<vmem>>
        %dma_wait3A_909 = tpu.memref_squeeze %dma_wait3A_908 : memref<1x26x64xf32, #tpu.memory_space<vmem>> -> memref<26x64xf32, #tpu.memory_space<vmem>>
        tpu.wait_dma2 semaphore(%arg11 : memref<!tpu.dma_semaphore, #tpu.memory_space<semaphore_mem>>) src(%dma_wait3A_909 : memref<26x64xf32, #tpu.memory_space<vmem>>) dst(%dma_wait3A_905 : memref<26x64xf32, #tpu.memory_space<hbm>>)
        %mul3A_910 = arith.constant 104 : i32
        %mul3A_911 = arith.muli %add3A_489, %mul3A_910 : i32
        %dma_start3A_912 = arith.constant 0 : i32
        %dma_start3A_913 = arith.constant 0 : i32
        %dma_start3A_914 = arith.constant 0 : i32
        %dma_start3A_915 = tpu.memref_slice %arg6[%dma_start3A_912, %dma_start3A_913, %dma_start3A_914] : memref<4x104x64xf32, #tpu.memory_space<vmem>> -> memref<1x104x64xf32, #tpu.memory_space<vmem>>
        %dma_start3A_916 = tpu.memref_squeeze %dma_start3A_915 : memref<1x104x64xf32, #tpu.memory_space<vmem>> -> memref<104x64xf32, #tpu.memory_space<vmem>>
        %dma_start3A_917 = tpu.memref_slice %arg5[%mul3A_911] : memref<3328xi32, #tpu.memory_space<vmem>> -> memref<104xi32, #tpu.memory_space<vmem>>
        %dma_start3A_918 = arith.constant 0 : i32
        %dma_start3A_919 = arith.constant 0 : i32
        %dma_start3A_920 = tpu.memref_slice %arg3[%dma_start3A_918, %dma_start3A_919] : memref<100000x64xf32, #tpu.memory_space<hbm>> -> memref<100000x64xf32, #tpu.memory_space<hbm>>
        tpu.enqueue_indirect_dma source(%dma_start3A_920 : memref<100000x64xf32, #tpu.memory_space<hbm>>) target(%dma_start3A_916 : memref<104x64xf32, #tpu.memory_space<vmem>>) offsets(%dma_start3A_917 : memref<104xi32, #tpu.memory_space<vmem>>) semaphore(%arg7 : memref<!tpu.dma_semaphore, #tpu.memory_space<semaphore_mem>>)
      } else {
      }
      %mul3A_492 = arith.constant 4 : i32
      %mul3A_493 = arith.muli %scan3A_384, %mul3A_492 : i32
      %add3A_494 = arith.constant 1 : i32
      %add3A_495 = arith.addi %mul3A_493, %add3A_494 : i32
      %mul3A_496 = arith.constant 104 : i32
      %mul3A_497 = arith.muli %add3A_495, %mul3A_496 : i32
      %dma_wait3A_498 = arith.constant 1 : i32
      %dma_wait3A_499 = arith.constant 0 : i32
      %dma_wait3A_500 = arith.constant 0 : i32
      %dma_wait3A_501 = tpu.memref_slice %arg6[%dma_wait3A_498, %dma_wait3A_499, %dma_wait3A_500] : memref<4x104x64xf32, #tpu.memory_space<vmem>> -> memref<1x104x64xf32, #tpu.memory_space<vmem>>
      %dma_wait3A_502 = tpu.memref_squeeze %dma_wait3A_501 : memref<1x104x64xf32, #tpu.memory_space<vmem>> -> memref<104x64xf32, #tpu.memory_space<vmem>>
      %dma_wait3A_503 = tpu.memref_slice %arg5[%mul3A_497] : memref<3328xi32, #tpu.memory_space<vmem>> -> memref<104xi32, #tpu.memory_space<vmem>>
      %dma_wait3A_504 = arith.constant 0 : i32
      %dma_wait3A_505 = arith.constant 0 : i32
      %dma_wait3A_506 = tpu.memref_slice %arg3[%dma_wait3A_504, %dma_wait3A_505] : memref<100000x64xf32, #tpu.memory_space<hbm>> -> memref<100000x64xf32, #tpu.memory_space<hbm>>
      tpu.wait_indirect_dma semaphore(%arg8 : memref<!tpu.dma_semaphore, #tpu.memory_space<semaphore_mem>>) src(%dma_wait3A_506 : memref<100000x64xf32, #tpu.memory_space<hbm>>) dst(%dma_wait3A_502 : memref<104x64xf32, #tpu.memory_space<vmem>>)
      %mul3A_507 = arith.constant 4 : i32
      %mul3A_508 = arith.muli %add3A_495, %mul3A_507 : i32
      %add3A_509 = arith.addi %mul3A_2, %mul3A_508 : i32
      %add3A_510 = arith.constant 0 : i32
      %add3A_511 = arith.addi %add3A_509, %add3A_510 : i32
      %dma_start3A_512 = arith.constant 1 : i32
      %dma_start3A_513 = arith.constant 0 : i32
      %dma_start3A_514 = arith.constant 0 : i32
      %dma_start3A_515 = tpu.memref_slice %arg6[%dma_start3A_512, %dma_start3A_513, %dma_start3A_514] : memref<4x104x64xf32, #tpu.memory_space<vmem>> -> memref<1x26x64xf32, #tpu.memory_space<vmem>>
      %dma_start3A_516 = tpu.memref_squeeze %dma_start3A_515 : memref<1x26x64xf32, #tpu.memory_space<vmem>> -> memref<26x64xf32, #tpu.memory_space<vmem>>
      %dma_start3A_517 = arith.constant 0 : i32
      %dma_start3A_518 = arith.constant 0 : i32
      %dma_start3A_519 = tpu.memref_slice %arg4[%add3A_511, %dma_start3A_517, %dma_start3A_518] : memref<4096x32x128xf32, #tpu.memory_space<hbm>> -> memref<1x26x64xf32, #tpu.memory_space<hbm>>
      %dma_start3A_520 = tpu.memref_squeeze %dma_start3A_519 : memref<1x26x64xf32, #tpu.memory_space<hbm>> -> memref<26x64xf32, #tpu.memory_space<hbm>>
      %dma_start3A_521 = arith.constant 0 : i32
      %dma_start3A_522 = arith.constant 0 : i32
      %dma_start3A_523 = tpu.memref_slice %arg4[%add3A_511, %dma_start3A_521, %dma_start3A_522] : memref<4096x32x128xf32, #tpu.memory_space<hbm>> -> memref<1x26x64xf32, #tpu.memory_space<hbm>>
      %dma_start3A_524 = tpu.memref_squeeze %dma_start3A_523 : memref<1x26x64xf32, #tpu.memory_space<hbm>> -> memref<26x64xf32, #tpu.memory_space<hbm>>
      %dma_start3A_525 = arith.constant 0 : i32
      %dma_start3A_526 = arith.constant 0 : i32
      %dma_start3A_527 = tpu.memref_slice %arg6[%dma_start3A_512, %dma_start3A_525, %dma_start3A_526] : memref<4x104x64xf32, #tpu.memory_space<vmem>> -> memref<1x26x64xf32, #tpu.memory_space<vmem>>
      %dma_start3A_528 = tpu.memref_squeeze %dma_start3A_527 : memref<1x26x64xf32, #tpu.memory_space<vmem>> -> memref<26x64xf32, #tpu.memory_space<vmem>>
      tpu.enqueue_dma source(%dma_start3A_528 : memref<26x64xf32, #tpu.memory_space<vmem>>) target(%dma_start3A_524 : memref<26x64xf32, #tpu.memory_space<hbm>>) target_semaphore(%arg12 : memref<!tpu.dma_semaphore, #tpu.memory_space<semaphore_mem>>)
      %mul3A_529 = arith.constant 4 : i32
      %mul3A_530 = arith.muli %add3A_495, %mul3A_529 : i32
      %add3A_531 = arith.addi %mul3A_2, %mul3A_530 : i32
      %add3A_532 = arith.constant 1 : i32
      %add3A_533 = arith.addi %add3A_531, %add3A_532 : i32
      %dma_start3A_534 = arith.constant 1 : i32
      %dma_start3A_535 = arith.constant 26 : i32
      %dma_start3A_536 = arith.constant 0 : i32
      %dma_start3A_537 = tpu.memref_slice %arg6[%dma_start3A_534, %dma_start3A_535, %dma_start3A_536] : memref<4x104x64xf32, #tpu.memory_space<vmem>> -> memref<1x26x64xf32, #tpu.memory_space<vmem>>
      %dma_start3A_538 = tpu.memref_squeeze %dma_start3A_537 : memref<1x26x64xf32, #tpu.memory_space<vmem>> -> memref<26x64xf32, #tpu.memory_space<vmem>>
      %dma_start3A_539 = arith.constant 0 : i32
      %dma_start3A_540 = arith.constant 0 : i32
      %dma_start3A_541 = tpu.memref_slice %arg4[%add3A_533, %dma_start3A_539, %dma_start3A_540] : memref<4096x32x128xf32, #tpu.memory_space<hbm>> -> memref<1x26x64xf32, #tpu.memory_space<hbm>>
      %dma_start3A_542 = tpu.memref_squeeze %dma_start3A_541 : memref<1x26x64xf32, #tpu.memory_space<hbm>> -> memref<26x64xf32, #tpu.memory_space<hbm>>
      %dma_start3A_543 = arith.constant 0 : i32
      %dma_start3A_544 = arith.constant 0 : i32
      %dma_start3A_545 = tpu.memref_slice %arg4[%add3A_533, %dma_start3A_543, %dma_start3A_544] : memref<4096x32x128xf32, #tpu.memory_space<hbm>> -> memref<1x26x64xf32, #tpu.memory_space<hbm>>
      %dma_start3A_546 = tpu.memref_squeeze %dma_start3A_545 : memref<1x26x64xf32, #tpu.memory_space<hbm>> -> memref<26x64xf32, #tpu.memory_space<hbm>>
      %dma_start3A_547 = arith.constant 26 : i32
      %dma_start3A_548 = arith.constant 0 : i32
      %dma_start3A_549 = tpu.memref_slice %arg6[%dma_start3A_534, %dma_start3A_547, %dma_start3A_548] : memref<4x104x64xf32, #tpu.memory_space<vmem>> -> memref<1x26x64xf32, #tpu.memory_space<vmem>>
      %dma_start3A_550 = tpu.memref_squeeze %dma_start3A_549 : memref<1x26x64xf32, #tpu.memory_space<vmem>> -> memref<26x64xf32, #tpu.memory_space<vmem>>
      tpu.enqueue_dma source(%dma_start3A_550 : memref<26x64xf32, #tpu.memory_space<vmem>>) target(%dma_start3A_546 : memref<26x64xf32, #tpu.memory_space<hbm>>) target_semaphore(%arg12 : memref<!tpu.dma_semaphore, #tpu.memory_space<semaphore_mem>>)
      %mul3A_551 = arith.constant 4 : i32
      %mul3A_552 = arith.muli %add3A_495, %mul3A_551 : i32
      %add3A_553 = arith.addi %mul3A_2, %mul3A_552 : i32
      %add3A_554 = arith.constant 2 : i32
      %add3A_555 = arith.addi %add3A_553, %add3A_554 : i32
      %dma_start3A_556 = arith.constant 1 : i32
      %dma_start3A_557 = arith.constant 52 : i32
      %dma_start3A_558 = arith.constant 0 : i32
      %dma_start3A_559 = tpu.memref_slice %arg6[%dma_start3A_556, %dma_start3A_557, %dma_start3A_558] : memref<4x104x64xf32, #tpu.memory_space<vmem>> -> memref<1x26x64xf32, #tpu.memory_space<vmem>>
      %dma_start3A_560 = tpu.memref_squeeze %dma_start3A_559 : memref<1x26x64xf32, #tpu.memory_space<vmem>> -> memref<26x64xf32, #tpu.memory_space<vmem>>
      %dma_start3A_561 = arith.constant 0 : i32
      %dma_start3A_562 = arith.constant 0 : i32
      %dma_start3A_563 = tpu.memref_slice %arg4[%add3A_555, %dma_start3A_561, %dma_start3A_562] : memref<4096x32x128xf32, #tpu.memory_space<hbm>> -> memref<1x26x64xf32, #tpu.memory_space<hbm>>
      %dma_start3A_564 = tpu.memref_squeeze %dma_start3A_563 : memref<1x26x64xf32, #tpu.memory_space<hbm>> -> memref<26x64xf32, #tpu.memory_space<hbm>>
      %dma_start3A_565 = arith.constant 0 : i32
      %dma_start3A_566 = arith.constant 0 : i32
      %dma_start3A_567 = tpu.memref_slice %arg4[%add3A_555, %dma_start3A_565, %dma_start3A_566] : memref<4096x32x128xf32, #tpu.memory_space<hbm>> -> memref<1x26x64xf32, #tpu.memory_space<hbm>>
      %dma_start3A_568 = tpu.memref_squeeze %dma_start3A_567 : memref<1x26x64xf32, #tpu.memory_space<hbm>> -> memref<26x64xf32, #tpu.memory_space<hbm>>
      %dma_start3A_569 = arith.constant 52 : i32
      %dma_start3A_570 = arith.constant 0 : i32
      %dma_start3A_571 = tpu.memref_slice %arg6[%dma_start3A_556, %dma_start3A_569, %dma_start3A_570] : memref<4x104x64xf32, #tpu.memory_space<vmem>> -> memref<1x26x64xf32, #tpu.memory_space<vmem>>
      %dma_start3A_572 = tpu.memref_squeeze %dma_start3A_571 : memref<1x26x64xf32, #tpu.memory_space<vmem>> -> memref<26x64xf32, #tpu.memory_space<vmem>>
      tpu.enqueue_dma source(%dma_start3A_572 : memref<26x64xf32, #tpu.memory_space<vmem>>) target(%dma_start3A_568 : memref<26x64xf32, #tpu.memory_space<hbm>>) target_semaphore(%arg12 : memref<!tpu.dma_semaphore, #tpu.memory_space<semaphore_mem>>)
      %mul3A_573 = arith.constant 4 : i32
      %mul3A_574 = arith.muli %add3A_495, %mul3A_573 : i32
      %add3A_575 = arith.addi %mul3A_2, %mul3A_574 : i32
      %add3A_576 = arith.constant 3 : i32
      %add3A_577 = arith.addi %add3A_575, %add3A_576 : i32
      %dma_start3A_578 = arith.constant 1 : i32
      %dma_start3A_579 = arith.constant 78 : i32
      %dma_start3A_580 = arith.constant 0 : i32
      %dma_start3A_581 = tpu.memref_slice %arg6[%dma_start3A_578, %dma_start3A_579, %dma_start3A_580] : memref<4x104x64xf32, #tpu.memory_space<vmem>> -> memref<1x26x64xf32, #tpu.memory_space<vmem>>
      %dma_start3A_582 = tpu.memref_squeeze %dma_start3A_581 : memref<1x26x64xf32, #tpu.memory_space<vmem>> -> memref<26x64xf32, #tpu.memory_space<vmem>>
      %dma_start3A_583 = arith.constant 0 : i32
      %dma_start3A_584 = arith.constant 0 : i32
      %dma_start3A_585 = tpu.memref_slice %arg4[%add3A_577, %dma_start3A_583, %dma_start3A_584] : memref<4096x32x128xf32, #tpu.memory_space<hbm>> -> memref<1x26x64xf32, #tpu.memory_space<hbm>>
      %dma_start3A_586 = tpu.memref_squeeze %dma_start3A_585 : memref<1x26x64xf32, #tpu.memory_space<hbm>> -> memref<26x64xf32, #tpu.memory_space<hbm>>
      %dma_start3A_587 = arith.constant 0 : i32
      %dma_start3A_588 = arith.constant 0 : i32
      %dma_start3A_589 = tpu.memref_slice %arg4[%add3A_577, %dma_start3A_587, %dma_start3A_588] : memref<4096x32x128xf32, #tpu.memory_space<hbm>> -> memref<1x26x64xf32, #tpu.memory_space<hbm>>
      %dma_start3A_590 = tpu.memref_squeeze %dma_start3A_589 : memref<1x26x64xf32, #tpu.memory_space<hbm>> -> memref<26x64xf32, #tpu.memory_space<hbm>>
      %dma_start3A_591 = arith.constant 78 : i32
      %dma_start3A_592 = arith.constant 0 : i32
      %dma_start3A_593 = tpu.memref_slice %arg6[%dma_start3A_578, %dma_start3A_591, %dma_start3A_592] : memref<4x104x64xf32, #tpu.memory_space<vmem>> -> memref<1x26x64xf32, #tpu.memory_space<vmem>>
      %dma_start3A_594 = tpu.memref_squeeze %dma_start3A_593 : memref<1x26x64xf32, #tpu.memory_space<vmem>> -> memref<26x64xf32, #tpu.memory_space<vmem>>
      tpu.enqueue_dma source(%dma_start3A_594 : memref<26x64xf32, #tpu.memory_space<vmem>>) target(%dma_start3A_590 : memref<26x64xf32, #tpu.memory_space<hbm>>) target_semaphore(%arg12 : memref<!tpu.dma_semaphore, #tpu.memory_space<semaphore_mem>>)
      %add3A_595 = arith.constant 4 : i32
      %add3A_596 = arith.addi %add3A_495, %add3A_595 : i32
      %lt3A_597 = arith.constant 32 : i32
      %lt3A_598 = arith.cmpi slt, %add3A_596, %lt3A_597 : i32
      %convert_element_type3A_599 = arith.extui %lt3A_598 : i1 to i32
      %cond3A_600 = arith.constant 0 : i32
      %cond3A_601 = arith.cmpi ne, %convert_element_type3A_599, %cond3A_600 : i32
      scf.if %cond3A_601 {
        %mul3A_822 = arith.constant 4 : i32
        %mul3A_823 = arith.muli %add3A_495, %mul3A_822 : i32
        %add3A_824 = arith.addi %mul3A_2, %mul3A_823 : i32
        %add3A_825 = arith.constant 0 : i32
        %add3A_826 = arith.addi %add3A_824, %add3A_825 : i32
        %dma_wait3A_827 = arith.constant 1 : i32
        %dma_wait3A_828 = arith.constant 0 : i32
        %dma_wait3A_829 = arith.constant 0 : i32
        %dma_wait3A_830 = tpu.memref_slice %arg6[%dma_wait3A_827, %dma_wait3A_828, %dma_wait3A_829] : memref<4x104x64xf32, #tpu.memory_space<vmem>> -> memref<1x26x64xf32, #tpu.memory_space<vmem>>
        %dma_wait3A_831 = tpu.memref_squeeze %dma_wait3A_830 : memref<1x26x64xf32, #tpu.memory_space<vmem>> -> memref<26x64xf32, #tpu.memory_space<vmem>>
        %dma_wait3A_832 = arith.constant 0 : i32
        %dma_wait3A_833 = arith.constant 0 : i32
        %dma_wait3A_834 = tpu.memref_slice %arg4[%add3A_826, %dma_wait3A_832, %dma_wait3A_833] : memref<4096x32x128xf32, #tpu.memory_space<hbm>> -> memref<1x26x64xf32, #tpu.memory_space<hbm>>
        %dma_wait3A_835 = tpu.memref_squeeze %dma_wait3A_834 : memref<1x26x64xf32, #tpu.memory_space<hbm>> -> memref<26x64xf32, #tpu.memory_space<hbm>>
        %dma_wait3A_836 = arith.constant 0 : i32
        %dma_wait3A_837 = arith.constant 0 : i32
        %dma_wait3A_838 = tpu.memref_slice %arg4[%add3A_826, %dma_wait3A_836, %dma_wait3A_837] : memref<4096x32x128xf32, #tpu.memory_space<hbm>> -> memref<1x26x64xf32, #tpu.memory_space<hbm>>
        %dma_wait3A_839 = tpu.memref_squeeze %dma_wait3A_838 : memref<1x26x64xf32, #tpu.memory_space<hbm>> -> memref<26x64xf32, #tpu.memory_space<hbm>>
        %dma_wait3A_840 = arith.constant 0 : i32
        %dma_wait3A_841 = arith.constant 0 : i32
        %dma_wait3A_842 = tpu.memref_slice %arg6[%dma_wait3A_827, %dma_wait3A_840, %dma_wait3A_841] : memref<4x104x64xf32, #tpu.memory_space<vmem>> -> memref<1x26x64xf32, #tpu.memory_space<vmem>>
        %dma_wait3A_843 = tpu.memref_squeeze %dma_wait3A_842 : memref<1x26x64xf32, #tpu.memory_space<vmem>> -> memref<26x64xf32, #tpu.memory_space<vmem>>
        tpu.wait_dma2 semaphore(%arg12 : memref<!tpu.dma_semaphore, #tpu.memory_space<semaphore_mem>>) src(%dma_wait3A_843 : memref<26x64xf32, #tpu.memory_space<vmem>>) dst(%dma_wait3A_839 : memref<26x64xf32, #tpu.memory_space<hbm>>)
        %mul3A_844 = arith.constant 4 : i32
        %mul3A_845 = arith.muli %add3A_495, %mul3A_844 : i32
        %add3A_846 = arith.addi %mul3A_2, %mul3A_845 : i32
        %add3A_847 = arith.constant 1 : i32
        %add3A_848 = arith.addi %add3A_846, %add3A_847 : i32
        %dma_wait3A_849 = arith.constant 1 : i32
        %dma_wait3A_850 = arith.constant 26 : i32
        %dma_wait3A_851 = arith.constant 0 : i32
        %dma_wait3A_852 = tpu.memref_slice %arg6[%dma_wait3A_849, %dma_wait3A_850, %dma_wait3A_851] : memref<4x104x64xf32, #tpu.memory_space<vmem>> -> memref<1x26x64xf32, #tpu.memory_space<vmem>>
        %dma_wait3A_853 = tpu.memref_squeeze %dma_wait3A_852 : memref<1x26x64xf32, #tpu.memory_space<vmem>> -> memref<26x64xf32, #tpu.memory_space<vmem>>
        %dma_wait3A_854 = arith.constant 0 : i32
        %dma_wait3A_855 = arith.constant 0 : i32
        %dma_wait3A_856 = tpu.memref_slice %arg4[%add3A_848, %dma_wait3A_854, %dma_wait3A_855] : memref<4096x32x128xf32, #tpu.memory_space<hbm>> -> memref<1x26x64xf32, #tpu.memory_space<hbm>>
        %dma_wait3A_857 = tpu.memref_squeeze %dma_wait3A_856 : memref<1x26x64xf32, #tpu.memory_space<hbm>> -> memref<26x64xf32, #tpu.memory_space<hbm>>
        %dma_wait3A_858 = arith.constant 0 : i32
        %dma_wait3A_859 = arith.constant 0 : i32
        %dma_wait3A_860 = tpu.memref_slice %arg4[%add3A_848, %dma_wait3A_858, %dma_wait3A_859] : memref<4096x32x128xf32, #tpu.memory_space<hbm>> -> memref<1x26x64xf32, #tpu.memory_space<hbm>>
        %dma_wait3A_861 = tpu.memref_squeeze %dma_wait3A_860 : memref<1x26x64xf32, #tpu.memory_space<hbm>> -> memref<26x64xf32, #tpu.memory_space<hbm>>
        %dma_wait3A_862 = arith.constant 26 : i32
        %dma_wait3A_863 = arith.constant 0 : i32
        %dma_wait3A_864 = tpu.memref_slice %arg6[%dma_wait3A_849, %dma_wait3A_862, %dma_wait3A_863] : memref<4x104x64xf32, #tpu.memory_space<vmem>> -> memref<1x26x64xf32, #tpu.memory_space<vmem>>
        %dma_wait3A_865 = tpu.memref_squeeze %dma_wait3A_864 : memref<1x26x64xf32, #tpu.memory_space<vmem>> -> memref<26x64xf32, #tpu.memory_space<vmem>>
        tpu.wait_dma2 semaphore(%arg12 : memref<!tpu.dma_semaphore, #tpu.memory_space<semaphore_mem>>) src(%dma_wait3A_865 : memref<26x64xf32, #tpu.memory_space<vmem>>) dst(%dma_wait3A_861 : memref<26x64xf32, #tpu.memory_space<hbm>>)
        %mul3A_866 = arith.constant 4 : i32
        %mul3A_867 = arith.muli %add3A_495, %mul3A_866 : i32
        %add3A_868 = arith.addi %mul3A_2, %mul3A_867 : i32
        %add3A_869 = arith.constant 2 : i32
        %add3A_870 = arith.addi %add3A_868, %add3A_869 : i32
        %dma_wait3A_871 = arith.constant 1 : i32
        %dma_wait3A_872 = arith.constant 52 : i32
        %dma_wait3A_873 = arith.constant 0 : i32
        %dma_wait3A_874 = tpu.memref_slice %arg6[%dma_wait3A_871, %dma_wait3A_872, %dma_wait3A_873] : memref<4x104x64xf32, #tpu.memory_space<vmem>> -> memref<1x26x64xf32, #tpu.memory_space<vmem>>
        %dma_wait3A_875 = tpu.memref_squeeze %dma_wait3A_874 : memref<1x26x64xf32, #tpu.memory_space<vmem>> -> memref<26x64xf32, #tpu.memory_space<vmem>>
        %dma_wait3A_876 = arith.constant 0 : i32
        %dma_wait3A_877 = arith.constant 0 : i32
        %dma_wait3A_878 = tpu.memref_slice %arg4[%add3A_870, %dma_wait3A_876, %dma_wait3A_877] : memref<4096x32x128xf32, #tpu.memory_space<hbm>> -> memref<1x26x64xf32, #tpu.memory_space<hbm>>
        %dma_wait3A_879 = tpu.memref_squeeze %dma_wait3A_878 : memref<1x26x64xf32, #tpu.memory_space<hbm>> -> memref<26x64xf32, #tpu.memory_space<hbm>>
        %dma_wait3A_880 = arith.constant 0 : i32
        %dma_wait3A_881 = arith.constant 0 : i32
        %dma_wait3A_882 = tpu.memref_slice %arg4[%add3A_870, %dma_wait3A_880, %dma_wait3A_881] : memref<4096x32x128xf32, #tpu.memory_space<hbm>> -> memref<1x26x64xf32, #tpu.memory_space<hbm>>
        %dma_wait3A_883 = tpu.memref_squeeze %dma_wait3A_882 : memref<1x26x64xf32, #tpu.memory_space<hbm>> -> memref<26x64xf32, #tpu.memory_space<hbm>>
        %dma_wait3A_884 = arith.constant 52 : i32
        %dma_wait3A_885 = arith.constant 0 : i32
        %dma_wait3A_886 = tpu.memref_slice %arg6[%dma_wait3A_871, %dma_wait3A_884, %dma_wait3A_885] : memref<4x104x64xf32, #tpu.memory_space<vmem>> -> memref<1x26x64xf32, #tpu.memory_space<vmem>>
        %dma_wait3A_887 = tpu.memref_squeeze %dma_wait3A_886 : memref<1x26x64xf32, #tpu.memory_space<vmem>> -> memref<26x64xf32, #tpu.memory_space<vmem>>
        tpu.wait_dma2 semaphore(%arg12 : memref<!tpu.dma_semaphore, #tpu.memory_space<semaphore_mem>>) src(%dma_wait3A_887 : memref<26x64xf32, #tpu.memory_space<vmem>>) dst(%dma_wait3A_883 : memref<26x64xf32, #tpu.memory_space<hbm>>)
        %mul3A_888 = arith.constant 4 : i32
        %mul3A_889 = arith.muli %add3A_495, %mul3A_888 : i32
        %add3A_890 = arith.addi %mul3A_2, %mul3A_889 : i32
        %add3A_891 = arith.constant 3 : i32
        %add3A_892 = arith.addi %add3A_890, %add3A_891 : i32
        %dma_wait3A_893 = arith.constant 1 : i32
        %dma_wait3A_894 = arith.constant 78 : i32
        %dma_wait3A_895 = arith.constant 0 : i32
        %dma_wait3A_896 = tpu.memref_slice %arg6[%dma_wait3A_893, %dma_wait3A_894, %dma_wait3A_895] : memref<4x104x64xf32, #tpu.memory_space<vmem>> -> memref<1x26x64xf32, #tpu.memory_space<vmem>>
        %dma_wait3A_897 = tpu.memref_squeeze %dma_wait3A_896 : memref<1x26x64xf32, #tpu.memory_space<vmem>> -> memref<26x64xf32, #tpu.memory_space<vmem>>
        %dma_wait3A_898 = arith.constant 0 : i32
        %dma_wait3A_899 = arith.constant 0 : i32
        %dma_wait3A_900 = tpu.memref_slice %arg4[%add3A_892, %dma_wait3A_898, %dma_wait3A_899] : memref<4096x32x128xf32, #tpu.memory_space<hbm>> -> memref<1x26x64xf32, #tpu.memory_space<hbm>>
        %dma_wait3A_901 = tpu.memref_squeeze %dma_wait3A_900 : memref<1x26x64xf32, #tpu.memory_space<hbm>> -> memref<26x64xf32, #tpu.memory_space<hbm>>
        %dma_wait3A_902 = arith.constant 0 : i32
        %dma_wait3A_903 = arith.constant 0 : i32
        %dma_wait3A_904 = tpu.memref_slice %arg4[%add3A_892, %dma_wait3A_902, %dma_wait3A_903] : memref<4096x32x128xf32, #tpu.memory_space<hbm>> -> memref<1x26x64xf32, #tpu.memory_space<hbm>>
        %dma_wait3A_905 = tpu.memref_squeeze %dma_wait3A_904 : memref<1x26x64xf32, #tpu.memory_space<hbm>> -> memref<26x64xf32, #tpu.memory_space<hbm>>
        %dma_wait3A_906 = arith.constant 78 : i32
        %dma_wait3A_907 = arith.constant 0 : i32
        %dma_wait3A_908 = tpu.memref_slice %arg6[%dma_wait3A_893, %dma_wait3A_906, %dma_wait3A_907] : memref<4x104x64xf32, #tpu.memory_space<vmem>> -> memref<1x26x64xf32, #tpu.memory_space<vmem>>
        %dma_wait3A_909 = tpu.memref_squeeze %dma_wait3A_908 : memref<1x26x64xf32, #tpu.memory_space<vmem>> -> memref<26x64xf32, #tpu.memory_space<vmem>>
        tpu.wait_dma2 semaphore(%arg12 : memref<!tpu.dma_semaphore, #tpu.memory_space<semaphore_mem>>) src(%dma_wait3A_909 : memref<26x64xf32, #tpu.memory_space<vmem>>) dst(%dma_wait3A_905 : memref<26x64xf32, #tpu.memory_space<hbm>>)
        %mul3A_910 = arith.constant 104 : i32
        %mul3A_911 = arith.muli %add3A_596, %mul3A_910 : i32
        %dma_start3A_912 = arith.constant 1 : i32
        %dma_start3A_913 = arith.constant 0 : i32
        %dma_start3A_914 = arith.constant 0 : i32
        %dma_start3A_915 = tpu.memref_slice %arg6[%dma_start3A_912, %dma_start3A_913, %dma_start3A_914] : memref<4x104x64xf32, #tpu.memory_space<vmem>> -> memref<1x104x64xf32, #tpu.memory_space<vmem>>
        %dma_start3A_916 = tpu.memref_squeeze %dma_start3A_915 : memref<1x104x64xf32, #tpu.memory_space<vmem>> -> memref<104x64xf32, #tpu.memory_space<vmem>>
        %dma_start3A_917 = tpu.memref_slice %arg5[%mul3A_911] : memref<3328xi32, #tpu.memory_space<vmem>> -> memref<104xi32, #tpu.memory_space<vmem>>
        %dma_start3A_918 = arith.constant 0 : i32
        %dma_start3A_919 = arith.constant 0 : i32
        %dma_start3A_920 = tpu.memref_slice %arg3[%dma_start3A_918, %dma_start3A_919] : memref<100000x64xf32, #tpu.memory_space<hbm>> -> memref<100000x64xf32, #tpu.memory_space<hbm>>
        tpu.enqueue_indirect_dma source(%dma_start3A_920 : memref<100000x64xf32, #tpu.memory_space<hbm>>) target(%dma_start3A_916 : memref<104x64xf32, #tpu.memory_space<vmem>>) offsets(%dma_start3A_917 : memref<104xi32, #tpu.memory_space<vmem>>) semaphore(%arg8 : memref<!tpu.dma_semaphore, #tpu.memory_space<semaphore_mem>>)
      } else {
      }
      %mul3A_602 = arith.constant 4 : i32
      %mul3A_603 = arith.muli %scan3A_384, %mul3A_602 : i32
      %add3A_604 = arith.constant 2 : i32
      %add3A_605 = arith.addi %mul3A_603, %add3A_604 : i32
      %mul3A_606 = arith.constant 104 : i32
      %mul3A_607 = arith.muli %add3A_605, %mul3A_606 : i32
      %dma_wait3A_608 = arith.constant 2 : i32
      %dma_wait3A_609 = arith.constant 0 : i32
      %dma_wait3A_610 = arith.constant 0 : i32
      %dma_wait3A_611 = tpu.memref_slice %arg6[%dma_wait3A_608, %dma_wait3A_609, %dma_wait3A_610] : memref<4x104x64xf32, #tpu.memory_space<vmem>> -> memref<1x104x64xf32, #tpu.memory_space<vmem>>
      %dma_wait3A_612 = tpu.memref_squeeze %dma_wait3A_611 : memref<1x104x64xf32, #tpu.memory_space<vmem>> -> memref<104x64xf32, #tpu.memory_space<vmem>>
      %dma_wait3A_613 = tpu.memref_slice %arg5[%mul3A_607] : memref<3328xi32, #tpu.memory_space<vmem>> -> memref<104xi32, #tpu.memory_space<vmem>>
      %dma_wait3A_614 = arith.constant 0 : i32
      %dma_wait3A_615 = arith.constant 0 : i32
      %dma_wait3A_616 = tpu.memref_slice %arg3[%dma_wait3A_614, %dma_wait3A_615] : memref<100000x64xf32, #tpu.memory_space<hbm>> -> memref<100000x64xf32, #tpu.memory_space<hbm>>
      tpu.wait_indirect_dma semaphore(%arg9 : memref<!tpu.dma_semaphore, #tpu.memory_space<semaphore_mem>>) src(%dma_wait3A_616 : memref<100000x64xf32, #tpu.memory_space<hbm>>) dst(%dma_wait3A_612 : memref<104x64xf32, #tpu.memory_space<vmem>>)
      %mul3A_617 = arith.constant 4 : i32
      %mul3A_618 = arith.muli %add3A_605, %mul3A_617 : i32
      %add3A_619 = arith.addi %mul3A_2, %mul3A_618 : i32
      %add3A_620 = arith.constant 0 : i32
      %add3A_621 = arith.addi %add3A_619, %add3A_620 : i32
      %dma_start3A_622 = arith.constant 2 : i32
      %dma_start3A_623 = arith.constant 0 : i32
      %dma_start3A_624 = arith.constant 0 : i32
      %dma_start3A_625 = tpu.memref_slice %arg6[%dma_start3A_622, %dma_start3A_623, %dma_start3A_624] : memref<4x104x64xf32, #tpu.memory_space<vmem>> -> memref<1x26x64xf32, #tpu.memory_space<vmem>>
      %dma_start3A_626 = tpu.memref_squeeze %dma_start3A_625 : memref<1x26x64xf32, #tpu.memory_space<vmem>> -> memref<26x64xf32, #tpu.memory_space<vmem>>
      %dma_start3A_627 = arith.constant 0 : i32
      %dma_start3A_628 = arith.constant 0 : i32
      %dma_start3A_629 = tpu.memref_slice %arg4[%add3A_621, %dma_start3A_627, %dma_start3A_628] : memref<4096x32x128xf32, #tpu.memory_space<hbm>> -> memref<1x26x64xf32, #tpu.memory_space<hbm>>
      %dma_start3A_630 = tpu.memref_squeeze %dma_start3A_629 : memref<1x26x64xf32, #tpu.memory_space<hbm>> -> memref<26x64xf32, #tpu.memory_space<hbm>>
      %dma_start3A_631 = arith.constant 0 : i32
      %dma_start3A_632 = arith.constant 0 : i32
      %dma_start3A_633 = tpu.memref_slice %arg4[%add3A_621, %dma_start3A_631, %dma_start3A_632] : memref<4096x32x128xf32, #tpu.memory_space<hbm>> -> memref<1x26x64xf32, #tpu.memory_space<hbm>>
      %dma_start3A_634 = tpu.memref_squeeze %dma_start3A_633 : memref<1x26x64xf32, #tpu.memory_space<hbm>> -> memref<26x64xf32, #tpu.memory_space<hbm>>
      %dma_start3A_635 = arith.constant 0 : i32
      %dma_start3A_636 = arith.constant 0 : i32
      %dma_start3A_637 = tpu.memref_slice %arg6[%dma_start3A_622, %dma_start3A_635, %dma_start3A_636] : memref<4x104x64xf32, #tpu.memory_space<vmem>> -> memref<1x26x64xf32, #tpu.memory_space<vmem>>
      %dma_start3A_638 = tpu.memref_squeeze %dma_start3A_637 : memref<1x26x64xf32, #tpu.memory_space<vmem>> -> memref<26x64xf32, #tpu.memory_space<vmem>>
      tpu.enqueue_dma source(%dma_start3A_638 : memref<26x64xf32, #tpu.memory_space<vmem>>) target(%dma_start3A_634 : memref<26x64xf32, #tpu.memory_space<hbm>>) target_semaphore(%arg13 : memref<!tpu.dma_semaphore, #tpu.memory_space<semaphore_mem>>)
      %mul3A_639 = arith.constant 4 : i32
      %mul3A_640 = arith.muli %add3A_605, %mul3A_639 : i32
      %add3A_641 = arith.addi %mul3A_2, %mul3A_640 : i32
      %add3A_642 = arith.constant 1 : i32
      %add3A_643 = arith.addi %add3A_641, %add3A_642 : i32
      %dma_start3A_644 = arith.constant 2 : i32
      %dma_start3A_645 = arith.constant 26 : i32
      %dma_start3A_646 = arith.constant 0 : i32
      %dma_start3A_647 = tpu.memref_slice %arg6[%dma_start3A_644, %dma_start3A_645, %dma_start3A_646] : memref<4x104x64xf32, #tpu.memory_space<vmem>> -> memref<1x26x64xf32, #tpu.memory_space<vmem>>
      %dma_start3A_648 = tpu.memref_squeeze %dma_start3A_647 : memref<1x26x64xf32, #tpu.memory_space<vmem>> -> memref<26x64xf32, #tpu.memory_space<vmem>>
      %dma_start3A_649 = arith.constant 0 : i32
      %dma_start3A_650 = arith.constant 0 : i32
      %dma_start3A_651 = tpu.memref_slice %arg4[%add3A_643, %dma_start3A_649, %dma_start3A_650] : memref<4096x32x128xf32, #tpu.memory_space<hbm>> -> memref<1x26x64xf32, #tpu.memory_space<hbm>>
      %dma_start3A_652 = tpu.memref_squeeze %dma_start3A_651 : memref<1x26x64xf32, #tpu.memory_space<hbm>> -> memref<26x64xf32, #tpu.memory_space<hbm>>
      %dma_start3A_653 = arith.constant 0 : i32
      %dma_start3A_654 = arith.constant 0 : i32
      %dma_start3A_655 = tpu.memref_slice %arg4[%add3A_643, %dma_start3A_653, %dma_start3A_654] : memref<4096x32x128xf32, #tpu.memory_space<hbm>> -> memref<1x26x64xf32, #tpu.memory_space<hbm>>
      %dma_start3A_656 = tpu.memref_squeeze %dma_start3A_655 : memref<1x26x64xf32, #tpu.memory_space<hbm>> -> memref<26x64xf32, #tpu.memory_space<hbm>>
      %dma_start3A_657 = arith.constant 26 : i32
      %dma_start3A_658 = arith.constant 0 : i32
      %dma_start3A_659 = tpu.memref_slice %arg6[%dma_start3A_644, %dma_start3A_657, %dma_start3A_658] : memref<4x104x64xf32, #tpu.memory_space<vmem>> -> memref<1x26x64xf32, #tpu.memory_space<vmem>>
      %dma_start3A_660 = tpu.memref_squeeze %dma_start3A_659 : memref<1x26x64xf32, #tpu.memory_space<vmem>> -> memref<26x64xf32, #tpu.memory_space<vmem>>
      tpu.enqueue_dma source(%dma_start3A_660 : memref<26x64xf32, #tpu.memory_space<vmem>>) target(%dma_start3A_656 : memref<26x64xf32, #tpu.memory_space<hbm>>) target_semaphore(%arg13 : memref<!tpu.dma_semaphore, #tpu.memory_space<semaphore_mem>>)
      %mul3A_661 = arith.constant 4 : i32
      %mul3A_662 = arith.muli %add3A_605, %mul3A_661 : i32
      %add3A_663 = arith.addi %mul3A_2, %mul3A_662 : i32
      %add3A_664 = arith.constant 2 : i32
      %add3A_665 = arith.addi %add3A_663, %add3A_664 : i32
      %dma_start3A_666 = arith.constant 2 : i32
      %dma_start3A_667 = arith.constant 52 : i32
      %dma_start3A_668 = arith.constant 0 : i32
      %dma_start3A_669 = tpu.memref_slice %arg6[%dma_start3A_666, %dma_start3A_667, %dma_start3A_668] : memref<4x104x64xf32, #tpu.memory_space<vmem>> -> memref<1x26x64xf32, #tpu.memory_space<vmem>>
      %dma_start3A_670 = tpu.memref_squeeze %dma_start3A_669 : memref<1x26x64xf32, #tpu.memory_space<vmem>> -> memref<26x64xf32, #tpu.memory_space<vmem>>
      %dma_start3A_671 = arith.constant 0 : i32
      %dma_start3A_672 = arith.constant 0 : i32
      %dma_start3A_673 = tpu.memref_slice %arg4[%add3A_665, %dma_start3A_671, %dma_start3A_672] : memref<4096x32x128xf32, #tpu.memory_space<hbm>> -> memref<1x26x64xf32, #tpu.memory_space<hbm>>
      %dma_start3A_674 = tpu.memref_squeeze %dma_start3A_673 : memref<1x26x64xf32, #tpu.memory_space<hbm>> -> memref<26x64xf32, #tpu.memory_space<hbm>>
      %dma_start3A_675 = arith.constant 0 : i32
      %dma_start3A_676 = arith.constant 0 : i32
      %dma_start3A_677 = tpu.memref_slice %arg4[%add3A_665, %dma_start3A_675, %dma_start3A_676] : memref<4096x32x128xf32, #tpu.memory_space<hbm>> -> memref<1x26x64xf32, #tpu.memory_space<hbm>>
      %dma_start3A_678 = tpu.memref_squeeze %dma_start3A_677 : memref<1x26x64xf32, #tpu.memory_space<hbm>> -> memref<26x64xf32, #tpu.memory_space<hbm>>
      %dma_start3A_679 = arith.constant 52 : i32
      %dma_start3A_680 = arith.constant 0 : i32
      %dma_start3A_681 = tpu.memref_slice %arg6[%dma_start3A_666, %dma_start3A_679, %dma_start3A_680] : memref<4x104x64xf32, #tpu.memory_space<vmem>> -> memref<1x26x64xf32, #tpu.memory_space<vmem>>
      %dma_start3A_682 = tpu.memref_squeeze %dma_start3A_681 : memref<1x26x64xf32, #tpu.memory_space<vmem>> -> memref<26x64xf32, #tpu.memory_space<vmem>>
      tpu.enqueue_dma source(%dma_start3A_682 : memref<26x64xf32, #tpu.memory_space<vmem>>) target(%dma_start3A_678 : memref<26x64xf32, #tpu.memory_space<hbm>>) target_semaphore(%arg13 : memref<!tpu.dma_semaphore, #tpu.memory_space<semaphore_mem>>)
      %mul3A_683 = arith.constant 4 : i32
      %mul3A_684 = arith.muli %add3A_605, %mul3A_683 : i32
      %add3A_685 = arith.addi %mul3A_2, %mul3A_684 : i32
      %add3A_686 = arith.constant 3 : i32
      %add3A_687 = arith.addi %add3A_685, %add3A_686 : i32
      %dma_start3A_688 = arith.constant 2 : i32
      %dma_start3A_689 = arith.constant 78 : i32
      %dma_start3A_690 = arith.constant 0 : i32
      %dma_start3A_691 = tpu.memref_slice %arg6[%dma_start3A_688, %dma_start3A_689, %dma_start3A_690] : memref<4x104x64xf32, #tpu.memory_space<vmem>> -> memref<1x26x64xf32, #tpu.memory_space<vmem>>
      %dma_start3A_692 = tpu.memref_squeeze %dma_start3A_691 : memref<1x26x64xf32, #tpu.memory_space<vmem>> -> memref<26x64xf32, #tpu.memory_space<vmem>>
      %dma_start3A_693 = arith.constant 0 : i32
      %dma_start3A_694 = arith.constant 0 : i32
      %dma_start3A_695 = tpu.memref_slice %arg4[%add3A_687, %dma_start3A_693, %dma_start3A_694] : memref<4096x32x128xf32, #tpu.memory_space<hbm>> -> memref<1x26x64xf32, #tpu.memory_space<hbm>>
      %dma_start3A_696 = tpu.memref_squeeze %dma_start3A_695 : memref<1x26x64xf32, #tpu.memory_space<hbm>> -> memref<26x64xf32, #tpu.memory_space<hbm>>
      %dma_start3A_697 = arith.constant 0 : i32
      %dma_start3A_698 = arith.constant 0 : i32
      %dma_start3A_699 = tpu.memref_slice %arg4[%add3A_687, %dma_start3A_697, %dma_start3A_698] : memref<4096x32x128xf32, #tpu.memory_space<hbm>> -> memref<1x26x64xf32, #tpu.memory_space<hbm>>
      %dma_start3A_700 = tpu.memref_squeeze %dma_start3A_699 : memref<1x26x64xf32, #tpu.memory_space<hbm>> -> memref<26x64xf32, #tpu.memory_space<hbm>>
      %dma_start3A_701 = arith.constant 78 : i32
      %dma_start3A_702 = arith.constant 0 : i32
      %dma_start3A_703 = tpu.memref_slice %arg6[%dma_start3A_688, %dma_start3A_701, %dma_start3A_702] : memref<4x104x64xf32, #tpu.memory_space<vmem>> -> memref<1x26x64xf32, #tpu.memory_space<vmem>>
      %dma_start3A_704 = tpu.memref_squeeze %dma_start3A_703 : memref<1x26x64xf32, #tpu.memory_space<vmem>> -> memref<26x64xf32, #tpu.memory_space<vmem>>
      tpu.enqueue_dma source(%dma_start3A_704 : memref<26x64xf32, #tpu.memory_space<vmem>>) target(%dma_start3A_700 : memref<26x64xf32, #tpu.memory_space<hbm>>) target_semaphore(%arg13 : memref<!tpu.dma_semaphore, #tpu.memory_space<semaphore_mem>>)
      %add3A_705 = arith.constant 4 : i32
      %add3A_706 = arith.addi %add3A_605, %add3A_705 : i32
      %lt3A_707 = arith.constant 32 : i32
      %lt3A_708 = arith.cmpi slt, %add3A_706, %lt3A_707 : i32
      %convert_element_type3A_709 = arith.extui %lt3A_708 : i1 to i32
      %cond3A_710 = arith.constant 0 : i32
      %cond3A_711 = arith.cmpi ne, %convert_element_type3A_709, %cond3A_710 : i32
      scf.if %cond3A_711 {
        %mul3A_822 = arith.constant 4 : i32
        %mul3A_823 = arith.muli %add3A_605, %mul3A_822 : i32
        %add3A_824 = arith.addi %mul3A_2, %mul3A_823 : i32
        %add3A_825 = arith.constant 0 : i32
        %add3A_826 = arith.addi %add3A_824, %add3A_825 : i32
        %dma_wait3A_827 = arith.constant 2 : i32
        %dma_wait3A_828 = arith.constant 0 : i32
        %dma_wait3A_829 = arith.constant 0 : i32
        %dma_wait3A_830 = tpu.memref_slice %arg6[%dma_wait3A_827, %dma_wait3A_828, %dma_wait3A_829] : memref<4x104x64xf32, #tpu.memory_space<vmem>> -> memref<1x26x64xf32, #tpu.memory_space<vmem>>
        %dma_wait3A_831 = tpu.memref_squeeze %dma_wait3A_830 : memref<1x26x64xf32, #tpu.memory_space<vmem>> -> memref<26x64xf32, #tpu.memory_space<vmem>>
        %dma_wait3A_832 = arith.constant 0 : i32
        %dma_wait3A_833 = arith.constant 0 : i32
        %dma_wait3A_834 = tpu.memref_slice %arg4[%add3A_826, %dma_wait3A_832, %dma_wait3A_833] : memref<4096x32x128xf32, #tpu.memory_space<hbm>> -> memref<1x26x64xf32, #tpu.memory_space<hbm>>
        %dma_wait3A_835 = tpu.memref_squeeze %dma_wait3A_834 : memref<1x26x64xf32, #tpu.memory_space<hbm>> -> memref<26x64xf32, #tpu.memory_space<hbm>>
        %dma_wait3A_836 = arith.constant 0 : i32
        %dma_wait3A_837 = arith.constant 0 : i32
        %dma_wait3A_838 = tpu.memref_slice %arg4[%add3A_826, %dma_wait3A_836, %dma_wait3A_837] : memref<4096x32x128xf32, #tpu.memory_space<hbm>> -> memref<1x26x64xf32, #tpu.memory_space<hbm>>
        %dma_wait3A_839 = tpu.memref_squeeze %dma_wait3A_838 : memref<1x26x64xf32, #tpu.memory_space<hbm>> -> memref<26x64xf32, #tpu.memory_space<hbm>>
        %dma_wait3A_840 = arith.constant 0 : i32
        %dma_wait3A_841 = arith.constant 0 : i32
        %dma_wait3A_842 = tpu.memref_slice %arg6[%dma_wait3A_827, %dma_wait3A_840, %dma_wait3A_841] : memref<4x104x64xf32, #tpu.memory_space<vmem>> -> memref<1x26x64xf32, #tpu.memory_space<vmem>>
        %dma_wait3A_843 = tpu.memref_squeeze %dma_wait3A_842 : memref<1x26x64xf32, #tpu.memory_space<vmem>> -> memref<26x64xf32, #tpu.memory_space<vmem>>
        tpu.wait_dma2 semaphore(%arg13 : memref<!tpu.dma_semaphore, #tpu.memory_space<semaphore_mem>>) src(%dma_wait3A_843 : memref<26x64xf32, #tpu.memory_space<vmem>>) dst(%dma_wait3A_839 : memref<26x64xf32, #tpu.memory_space<hbm>>)
        %mul3A_844 = arith.constant 4 : i32
        %mul3A_845 = arith.muli %add3A_605, %mul3A_844 : i32
        %add3A_846 = arith.addi %mul3A_2, %mul3A_845 : i32
        %add3A_847 = arith.constant 1 : i32
        %add3A_848 = arith.addi %add3A_846, %add3A_847 : i32
        %dma_wait3A_849 = arith.constant 2 : i32
        %dma_wait3A_850 = arith.constant 26 : i32
        %dma_wait3A_851 = arith.constant 0 : i32
        %dma_wait3A_852 = tpu.memref_slice %arg6[%dma_wait3A_849, %dma_wait3A_850, %dma_wait3A_851] : memref<4x104x64xf32, #tpu.memory_space<vmem>> -> memref<1x26x64xf32, #tpu.memory_space<vmem>>
        %dma_wait3A_853 = tpu.memref_squeeze %dma_wait3A_852 : memref<1x26x64xf32, #tpu.memory_space<vmem>> -> memref<26x64xf32, #tpu.memory_space<vmem>>
        %dma_wait3A_854 = arith.constant 0 : i32
        %dma_wait3A_855 = arith.constant 0 : i32
        %dma_wait3A_856 = tpu.memref_slice %arg4[%add3A_848, %dma_wait3A_854, %dma_wait3A_855] : memref<4096x32x128xf32, #tpu.memory_space<hbm>> -> memref<1x26x64xf32, #tpu.memory_space<hbm>>
        %dma_wait3A_857 = tpu.memref_squeeze %dma_wait3A_856 : memref<1x26x64xf32, #tpu.memory_space<hbm>> -> memref<26x64xf32, #tpu.memory_space<hbm>>
        %dma_wait3A_858 = arith.constant 0 : i32
        %dma_wait3A_859 = arith.constant 0 : i32
        %dma_wait3A_860 = tpu.memref_slice %arg4[%add3A_848, %dma_wait3A_858, %dma_wait3A_859] : memref<4096x32x128xf32, #tpu.memory_space<hbm>> -> memref<1x26x64xf32, #tpu.memory_space<hbm>>
        %dma_wait3A_861 = tpu.memref_squeeze %dma_wait3A_860 : memref<1x26x64xf32, #tpu.memory_space<hbm>> -> memref<26x64xf32, #tpu.memory_space<hbm>>
        %dma_wait3A_862 = arith.constant 26 : i32
        %dma_wait3A_863 = arith.constant 0 : i32
        %dma_wait3A_864 = tpu.memref_slice %arg6[%dma_wait3A_849, %dma_wait3A_862, %dma_wait3A_863] : memref<4x104x64xf32, #tpu.memory_space<vmem>> -> memref<1x26x64xf32, #tpu.memory_space<vmem>>
        %dma_wait3A_865 = tpu.memref_squeeze %dma_wait3A_864 : memref<1x26x64xf32, #tpu.memory_space<vmem>> -> memref<26x64xf32, #tpu.memory_space<vmem>>
        tpu.wait_dma2 semaphore(%arg13 : memref<!tpu.dma_semaphore, #tpu.memory_space<semaphore_mem>>) src(%dma_wait3A_865 : memref<26x64xf32, #tpu.memory_space<vmem>>) dst(%dma_wait3A_861 : memref<26x64xf32, #tpu.memory_space<hbm>>)
        %mul3A_866 = arith.constant 4 : i32
        %mul3A_867 = arith.muli %add3A_605, %mul3A_866 : i32
        %add3A_868 = arith.addi %mul3A_2, %mul3A_867 : i32
        %add3A_869 = arith.constant 2 : i32
        %add3A_870 = arith.addi %add3A_868, %add3A_869 : i32
        %dma_wait3A_871 = arith.constant 2 : i32
        %dma_wait3A_872 = arith.constant 52 : i32
        %dma_wait3A_873 = arith.constant 0 : i32
        %dma_wait3A_874 = tpu.memref_slice %arg6[%dma_wait3A_871, %dma_wait3A_872, %dma_wait3A_873] : memref<4x104x64xf32, #tpu.memory_space<vmem>> -> memref<1x26x64xf32, #tpu.memory_space<vmem>>
        %dma_wait3A_875 = tpu.memref_squeeze %dma_wait3A_874 : memref<1x26x64xf32, #tpu.memory_space<vmem>> -> memref<26x64xf32, #tpu.memory_space<vmem>>
        %dma_wait3A_876 = arith.constant 0 : i32
        %dma_wait3A_877 = arith.constant 0 : i32
        %dma_wait3A_878 = tpu.memref_slice %arg4[%add3A_870, %dma_wait3A_876, %dma_wait3A_877] : memref<4096x32x128xf32, #tpu.memory_space<hbm>> -> memref<1x26x64xf32, #tpu.memory_space<hbm>>
        %dma_wait3A_879 = tpu.memref_squeeze %dma_wait3A_878 : memref<1x26x64xf32, #tpu.memory_space<hbm>> -> memref<26x64xf32, #tpu.memory_space<hbm>>
        %dma_wait3A_880 = arith.constant 0 : i32
        %dma_wait3A_881 = arith.constant 0 : i32
        %dma_wait3A_882 = tpu.memref_slice %arg4[%add3A_870, %dma_wait3A_880, %dma_wait3A_881] : memref<4096x32x128xf32, #tpu.memory_space<hbm>> -> memref<1x26x64xf32, #tpu.memory_space<hbm>>
        %dma_wait3A_883 = tpu.memref_squeeze %dma_wait3A_882 : memref<1x26x64xf32, #tpu.memory_space<hbm>> -> memref<26x64xf32, #tpu.memory_space<hbm>>
        %dma_wait3A_884 = arith.constant 52 : i32
        %dma_wait3A_885 = arith.constant 0 : i32
        %dma_wait3A_886 = tpu.memref_slice %arg6[%dma_wait3A_871, %dma_wait3A_884, %dma_wait3A_885] : memref<4x104x64xf32, #tpu.memory_space<vmem>> -> memref<1x26x64xf32, #tpu.memory_space<vmem>>
        %dma_wait3A_887 = tpu.memref_squeeze %dma_wait3A_886 : memref<1x26x64xf32, #tpu.memory_space<vmem>> -> memref<26x64xf32, #tpu.memory_space<vmem>>
        tpu.wait_dma2 semaphore(%arg13 : memref<!tpu.dma_semaphore, #tpu.memory_space<semaphore_mem>>) src(%dma_wait3A_887 : memref<26x64xf32, #tpu.memory_space<vmem>>) dst(%dma_wait3A_883 : memref<26x64xf32, #tpu.memory_space<hbm>>)
        %mul3A_888 = arith.constant 4 : i32
        %mul3A_889 = arith.muli %add3A_605, %mul3A_888 : i32
        %add3A_890 = arith.addi %mul3A_2, %mul3A_889 : i32
        %add3A_891 = arith.constant 3 : i32
        %add3A_892 = arith.addi %add3A_890, %add3A_891 : i32
        %dma_wait3A_893 = arith.constant 2 : i32
        %dma_wait3A_894 = arith.constant 78 : i32
        %dma_wait3A_895 = arith.constant 0 : i32
        %dma_wait3A_896 = tpu.memref_slice %arg6[%dma_wait3A_893, %dma_wait3A_894, %dma_wait3A_895] : memref<4x104x64xf32, #tpu.memory_space<vmem>> -> memref<1x26x64xf32, #tpu.memory_space<vmem>>
        %dma_wait3A_897 = tpu.memref_squeeze %dma_wait3A_896 : memref<1x26x64xf32, #tpu.memory_space<vmem>> -> memref<26x64xf32, #tpu.memory_space<vmem>>
        %dma_wait3A_898 = arith.constant 0 : i32
        %dma_wait3A_899 = arith.constant 0 : i32
        %dma_wait3A_900 = tpu.memref_slice %arg4[%add3A_892, %dma_wait3A_898, %dma_wait3A_899] : memref<4096x32x128xf32, #tpu.memory_space<hbm>> -> memref<1x26x64xf32, #tpu.memory_space<hbm>>
        %dma_wait3A_901 = tpu.memref_squeeze %dma_wait3A_900 : memref<1x26x64xf32, #tpu.memory_space<hbm>> -> memref<26x64xf32, #tpu.memory_space<hbm>>
        %dma_wait3A_902 = arith.constant 0 : i32
        %dma_wait3A_903 = arith.constant 0 : i32
        %dma_wait3A_904 = tpu.memref_slice %arg4[%add3A_892, %dma_wait3A_902, %dma_wait3A_903] : memref<4096x32x128xf32, #tpu.memory_space<hbm>> -> memref<1x26x64xf32, #tpu.memory_space<hbm>>
        %dma_wait3A_905 = tpu.memref_squeeze %dma_wait3A_904 : memref<1x26x64xf32, #tpu.memory_space<hbm>> -> memref<26x64xf32, #tpu.memory_space<hbm>>
        %dma_wait3A_906 = arith.constant 78 : i32
        %dma_wait3A_907 = arith.constant 0 : i32
        %dma_wait3A_908 = tpu.memref_slice %arg6[%dma_wait3A_893, %dma_wait3A_906, %dma_wait3A_907] : memref<4x104x64xf32, #tpu.memory_space<vmem>> -> memref<1x26x64xf32, #tpu.memory_space<vmem>>
        %dma_wait3A_909 = tpu.memref_squeeze %dma_wait3A_908 : memref<1x26x64xf32, #tpu.memory_space<vmem>> -> memref<26x64xf32, #tpu.memory_space<vmem>>
        tpu.wait_dma2 semaphore(%arg13 : memref<!tpu.dma_semaphore, #tpu.memory_space<semaphore_mem>>) src(%dma_wait3A_909 : memref<26x64xf32, #tpu.memory_space<vmem>>) dst(%dma_wait3A_905 : memref<26x64xf32, #tpu.memory_space<hbm>>)
        %mul3A_910 = arith.constant 104 : i32
        %mul3A_911 = arith.muli %add3A_706, %mul3A_910 : i32
        %dma_start3A_912 = arith.constant 2 : i32
        %dma_start3A_913 = arith.constant 0 : i32
        %dma_start3A_914 = arith.constant 0 : i32
        %dma_start3A_915 = tpu.memref_slice %arg6[%dma_start3A_912, %dma_start3A_913, %dma_start3A_914] : memref<4x104x64xf32, #tpu.memory_space<vmem>> -> memref<1x104x64xf32, #tpu.memory_space<vmem>>
        %dma_start3A_916 = tpu.memref_squeeze %dma_start3A_915 : memref<1x104x64xf32, #tpu.memory_space<vmem>> -> memref<104x64xf32, #tpu.memory_space<vmem>>
        %dma_start3A_917 = tpu.memref_slice %arg5[%mul3A_911] : memref<3328xi32, #tpu.memory_space<vmem>> -> memref<104xi32, #tpu.memory_space<vmem>>
        %dma_start3A_918 = arith.constant 0 : i32
        %dma_start3A_919 = arith.constant 0 : i32
        %dma_start3A_920 = tpu.memref_slice %arg3[%dma_start3A_918, %dma_start3A_919] : memref<100000x64xf32, #tpu.memory_space<hbm>> -> memref<100000x64xf32, #tpu.memory_space<hbm>>
        tpu.enqueue_indirect_dma source(%dma_start3A_920 : memref<100000x64xf32, #tpu.memory_space<hbm>>) target(%dma_start3A_916 : memref<104x64xf32, #tpu.memory_space<vmem>>) offsets(%dma_start3A_917 : memref<104xi32, #tpu.memory_space<vmem>>) semaphore(%arg9 : memref<!tpu.dma_semaphore, #tpu.memory_space<semaphore_mem>>)
      } else {
      }
      %mul3A_712 = arith.constant 4 : i32
      %mul3A_713 = arith.muli %scan3A_384, %mul3A_712 : i32
      %add3A_714 = arith.constant 3 : i32
      %add3A_715 = arith.addi %mul3A_713, %add3A_714 : i32
      %mul3A_716 = arith.constant 104 : i32
      %mul3A_717 = arith.muli %add3A_715, %mul3A_716 : i32
      %dma_wait3A_718 = arith.constant 3 : i32
      %dma_wait3A_719 = arith.constant 0 : i32
      %dma_wait3A_720 = arith.constant 0 : i32
      %dma_wait3A_721 = tpu.memref_slice %arg6[%dma_wait3A_718, %dma_wait3A_719, %dma_wait3A_720] : memref<4x104x64xf32, #tpu.memory_space<vmem>> -> memref<1x104x64xf32, #tpu.memory_space<vmem>>
      %dma_wait3A_722 = tpu.memref_squeeze %dma_wait3A_721 : memref<1x104x64xf32, #tpu.memory_space<vmem>> -> memref<104x64xf32, #tpu.memory_space<vmem>>
      %dma_wait3A_723 = tpu.memref_slice %arg5[%mul3A_717] : memref<3328xi32, #tpu.memory_space<vmem>> -> memref<104xi32, #tpu.memory_space<vmem>>
      %dma_wait3A_724 = arith.constant 0 : i32
      %dma_wait3A_725 = arith.constant 0 : i32
      %dma_wait3A_726 = tpu.memref_slice %arg3[%dma_wait3A_724, %dma_wait3A_725] : memref<100000x64xf32, #tpu.memory_space<hbm>> -> memref<100000x64xf32, #tpu.memory_space<hbm>>
      tpu.wait_indirect_dma semaphore(%arg10 : memref<!tpu.dma_semaphore, #tpu.memory_space<semaphore_mem>>) src(%dma_wait3A_726 : memref<100000x64xf32, #tpu.memory_space<hbm>>) dst(%dma_wait3A_722 : memref<104x64xf32, #tpu.memory_space<vmem>>)
      %mul3A_727 = arith.constant 4 : i32
      %mul3A_728 = arith.muli %add3A_715, %mul3A_727 : i32
      %add3A_729 = arith.addi %mul3A_2, %mul3A_728 : i32
      %add3A_730 = arith.constant 0 : i32
      %add3A_731 = arith.addi %add3A_729, %add3A_730 : i32
      %dma_start3A_732 = arith.constant 3 : i32
      %dma_start3A_733 = arith.constant 0 : i32
      %dma_start3A_734 = arith.constant 0 : i32
      %dma_start3A_735 = tpu.memref_slice %arg6[%dma_start3A_732, %dma_start3A_733, %dma_start3A_734] : memref<4x104x64xf32, #tpu.memory_space<vmem>> -> memref<1x26x64xf32, #tpu.memory_space<vmem>>
      %dma_start3A_736 = tpu.memref_squeeze %dma_start3A_735 : memref<1x26x64xf32, #tpu.memory_space<vmem>> -> memref<26x64xf32, #tpu.memory_space<vmem>>
      %dma_start3A_737 = arith.constant 0 : i32
      %dma_start3A_738 = arith.constant 0 : i32
      %dma_start3A_739 = tpu.memref_slice %arg4[%add3A_731, %dma_start3A_737, %dma_start3A_738] : memref<4096x32x128xf32, #tpu.memory_space<hbm>> -> memref<1x26x64xf32, #tpu.memory_space<hbm>>
      %dma_start3A_740 = tpu.memref_squeeze %dma_start3A_739 : memref<1x26x64xf32, #tpu.memory_space<hbm>> -> memref<26x64xf32, #tpu.memory_space<hbm>>
      %dma_start3A_741 = arith.constant 0 : i32
      %dma_start3A_742 = arith.constant 0 : i32
      %dma_start3A_743 = tpu.memref_slice %arg4[%add3A_731, %dma_start3A_741, %dma_start3A_742] : memref<4096x32x128xf32, #tpu.memory_space<hbm>> -> memref<1x26x64xf32, #tpu.memory_space<hbm>>
      %dma_start3A_744 = tpu.memref_squeeze %dma_start3A_743 : memref<1x26x64xf32, #tpu.memory_space<hbm>> -> memref<26x64xf32, #tpu.memory_space<hbm>>
      %dma_start3A_745 = arith.constant 0 : i32
      %dma_start3A_746 = arith.constant 0 : i32
      %dma_start3A_747 = tpu.memref_slice %arg6[%dma_start3A_732, %dma_start3A_745, %dma_start3A_746] : memref<4x104x64xf32, #tpu.memory_space<vmem>> -> memref<1x26x64xf32, #tpu.memory_space<vmem>>
      %dma_start3A_748 = tpu.memref_squeeze %dma_start3A_747 : memref<1x26x64xf32, #tpu.memory_space<vmem>> -> memref<26x64xf32, #tpu.memory_space<vmem>>
      tpu.enqueue_dma source(%dma_start3A_748 : memref<26x64xf32, #tpu.memory_space<vmem>>) target(%dma_start3A_744 : memref<26x64xf32, #tpu.memory_space<hbm>>) target_semaphore(%arg14 : memref<!tpu.dma_semaphore, #tpu.memory_space<semaphore_mem>>)
      %mul3A_749 = arith.constant 4 : i32
      %mul3A_750 = arith.muli %add3A_715, %mul3A_749 : i32
      %add3A_751 = arith.addi %mul3A_2, %mul3A_750 : i32
      %add3A_752 = arith.constant 1 : i32
      %add3A_753 = arith.addi %add3A_751, %add3A_752 : i32
      %dma_start3A_754 = arith.constant 3 : i32
      %dma_start3A_755 = arith.constant 26 : i32
      %dma_start3A_756 = arith.constant 0 : i32
      %dma_start3A_757 = tpu.memref_slice %arg6[%dma_start3A_754, %dma_start3A_755, %dma_start3A_756] : memref<4x104x64xf32, #tpu.memory_space<vmem>> -> memref<1x26x64xf32, #tpu.memory_space<vmem>>
      %dma_start3A_758 = tpu.memref_squeeze %dma_start3A_757 : memref<1x26x64xf32, #tpu.memory_space<vmem>> -> memref<26x64xf32, #tpu.memory_space<vmem>>
      %dma_start3A_759 = arith.constant 0 : i32
      %dma_start3A_760 = arith.constant 0 : i32
      %dma_start3A_761 = tpu.memref_slice %arg4[%add3A_753, %dma_start3A_759, %dma_start3A_760] : memref<4096x32x128xf32, #tpu.memory_space<hbm>> -> memref<1x26x64xf32, #tpu.memory_space<hbm>>
      %dma_start3A_762 = tpu.memref_squeeze %dma_start3A_761 : memref<1x26x64xf32, #tpu.memory_space<hbm>> -> memref<26x64xf32, #tpu.memory_space<hbm>>
      %dma_start3A_763 = arith.constant 0 : i32
      %dma_start3A_764 = arith.constant 0 : i32
      %dma_start3A_765 = tpu.memref_slice %arg4[%add3A_753, %dma_start3A_763, %dma_start3A_764] : memref<4096x32x128xf32, #tpu.memory_space<hbm>> -> memref<1x26x64xf32, #tpu.memory_space<hbm>>
      %dma_start3A_766 = tpu.memref_squeeze %dma_start3A_765 : memref<1x26x64xf32, #tpu.memory_space<hbm>> -> memref<26x64xf32, #tpu.memory_space<hbm>>
      %dma_start3A_767 = arith.constant 26 : i32
      %dma_start3A_768 = arith.constant 0 : i32
      %dma_start3A_769 = tpu.memref_slice %arg6[%dma_start3A_754, %dma_start3A_767, %dma_start3A_768] : memref<4x104x64xf32, #tpu.memory_space<vmem>> -> memref<1x26x64xf32, #tpu.memory_space<vmem>>
      %dma_start3A_770 = tpu.memref_squeeze %dma_start3A_769 : memref<1x26x64xf32, #tpu.memory_space<vmem>> -> memref<26x64xf32, #tpu.memory_space<vmem>>
      tpu.enqueue_dma source(%dma_start3A_770 : memref<26x64xf32, #tpu.memory_space<vmem>>) target(%dma_start3A_766 : memref<26x64xf32, #tpu.memory_space<hbm>>) target_semaphore(%arg14 : memref<!tpu.dma_semaphore, #tpu.memory_space<semaphore_mem>>)
      %mul3A_771 = arith.constant 4 : i32
      %mul3A_772 = arith.muli %add3A_715, %mul3A_771 : i32
      %add3A_773 = arith.addi %mul3A_2, %mul3A_772 : i32
      %add3A_774 = arith.constant 2 : i32
      %add3A_775 = arith.addi %add3A_773, %add3A_774 : i32
      %dma_start3A_776 = arith.constant 3 : i32
      %dma_start3A_777 = arith.constant 52 : i32
      %dma_start3A_778 = arith.constant 0 : i32
      %dma_start3A_779 = tpu.memref_slice %arg6[%dma_start3A_776, %dma_start3A_777, %dma_start3A_778] : memref<4x104x64xf32, #tpu.memory_space<vmem>> -> memref<1x26x64xf32, #tpu.memory_space<vmem>>
      %dma_start3A_780 = tpu.memref_squeeze %dma_start3A_779 : memref<1x26x64xf32, #tpu.memory_space<vmem>> -> memref<26x64xf32, #tpu.memory_space<vmem>>
      %dma_start3A_781 = arith.constant 0 : i32
      %dma_start3A_782 = arith.constant 0 : i32
      %dma_start3A_783 = tpu.memref_slice %arg4[%add3A_775, %dma_start3A_781, %dma_start3A_782] : memref<4096x32x128xf32, #tpu.memory_space<hbm>> -> memref<1x26x64xf32, #tpu.memory_space<hbm>>
      %dma_start3A_784 = tpu.memref_squeeze %dma_start3A_783 : memref<1x26x64xf32, #tpu.memory_space<hbm>> -> memref<26x64xf32, #tpu.memory_space<hbm>>
      %dma_start3A_785 = arith.constant 0 : i32
      %dma_start3A_786 = arith.constant 0 : i32
      %dma_start3A_787 = tpu.memref_slice %arg4[%add3A_775, %dma_start3A_785, %dma_start3A_786] : memref<4096x32x128xf32, #tpu.memory_space<hbm>> -> memref<1x26x64xf32, #tpu.memory_space<hbm>>
      %dma_start3A_788 = tpu.memref_squeeze %dma_start3A_787 : memref<1x26x64xf32, #tpu.memory_space<hbm>> -> memref<26x64xf32, #tpu.memory_space<hbm>>
      %dma_start3A_789 = arith.constant 52 : i32
      %dma_start3A_790 = arith.constant 0 : i32
      %dma_start3A_791 = tpu.memref_slice %arg6[%dma_start3A_776, %dma_start3A_789, %dma_start3A_790] : memref<4x104x64xf32, #tpu.memory_space<vmem>> -> memref<1x26x64xf32, #tpu.memory_space<vmem>>
      %dma_start3A_792 = tpu.memref_squeeze %dma_start3A_791 : memref<1x26x64xf32, #tpu.memory_space<vmem>> -> memref<26x64xf32, #tpu.memory_space<vmem>>
      tpu.enqueue_dma source(%dma_start3A_792 : memref<26x64xf32, #tpu.memory_space<vmem>>) target(%dma_start3A_788 : memref<26x64xf32, #tpu.memory_space<hbm>>) target_semaphore(%arg14 : memref<!tpu.dma_semaphore, #tpu.memory_space<semaphore_mem>>)
      %mul3A_793 = arith.constant 4 : i32
      %mul3A_794 = arith.muli %add3A_715, %mul3A_793 : i32
      %add3A_795 = arith.addi %mul3A_2, %mul3A_794 : i32
      %add3A_796 = arith.constant 3 : i32
      %add3A_797 = arith.addi %add3A_795, %add3A_796 : i32
      %dma_start3A_798 = arith.constant 3 : i32
      %dma_start3A_799 = arith.constant 78 : i32
      %dma_start3A_800 = arith.constant 0 : i32
      %dma_start3A_801 = tpu.memref_slice %arg6[%dma_start3A_798, %dma_start3A_799, %dma_start3A_800] : memref<4x104x64xf32, #tpu.memory_space<vmem>> -> memref<1x26x64xf32, #tpu.memory_space<vmem>>
      %dma_start3A_802 = tpu.memref_squeeze %dma_start3A_801 : memref<1x26x64xf32, #tpu.memory_space<vmem>> -> memref<26x64xf32, #tpu.memory_space<vmem>>
      %dma_start3A_803 = arith.constant 0 : i32
      %dma_start3A_804 = arith.constant 0 : i32
      %dma_start3A_805 = tpu.memref_slice %arg4[%add3A_797, %dma_start3A_803, %dma_start3A_804] : memref<4096x32x128xf32, #tpu.memory_space<hbm>> -> memref<1x26x64xf32, #tpu.memory_space<hbm>>
      %dma_start3A_806 = tpu.memref_squeeze %dma_start3A_805 : memref<1x26x64xf32, #tpu.memory_space<hbm>> -> memref<26x64xf32, #tpu.memory_space<hbm>>
      %dma_start3A_807 = arith.constant 0 : i32
      %dma_start3A_808 = arith.constant 0 : i32
      %dma_start3A_809 = tpu.memref_slice %arg4[%add3A_797, %dma_start3A_807, %dma_start3A_808] : memref<4096x32x128xf32, #tpu.memory_space<hbm>> -> memref<1x26x64xf32, #tpu.memory_space<hbm>>
      %dma_start3A_810 = tpu.memref_squeeze %dma_start3A_809 : memref<1x26x64xf32, #tpu.memory_space<hbm>> -> memref<26x64xf32, #tpu.memory_space<hbm>>
      %dma_start3A_811 = arith.constant 78 : i32
      %dma_start3A_812 = arith.constant 0 : i32
      %dma_start3A_813 = tpu.memref_slice %arg6[%dma_start3A_798, %dma_start3A_811, %dma_start3A_812] : memref<4x104x64xf32, #tpu.memory_space<vmem>> -> memref<1x26x64xf32, #tpu.memory_space<vmem>>
      %dma_start3A_814 = tpu.memref_squeeze %dma_start3A_813 : memref<1x26x64xf32, #tpu.memory_space<vmem>> -> memref<26x64xf32, #tpu.memory_space<vmem>>
      tpu.enqueue_dma source(%dma_start3A_814 : memref<26x64xf32, #tpu.memory_space<vmem>>) target(%dma_start3A_810 : memref<26x64xf32, #tpu.memory_space<hbm>>) target_semaphore(%arg14 : memref<!tpu.dma_semaphore, #tpu.memory_space<semaphore_mem>>)
      %add3A_815 = arith.constant 4 : i32
      %add3A_816 = arith.addi %add3A_715, %add3A_815 : i32
      %lt3A_817 = arith.constant 32 : i32
      %lt3A_818 = arith.cmpi slt, %add3A_816, %lt3A_817 : i32
      %convert_element_type3A_819 = arith.extui %lt3A_818 : i1 to i32
      %cond3A_820 = arith.constant 0 : i32
      %cond3A_821 = arith.cmpi ne, %convert_element_type3A_819, %cond3A_820 : i32
      scf.if %cond3A_821 {
        %mul3A_822 = arith.constant 4 : i32
        %mul3A_823 = arith.muli %add3A_715, %mul3A_822 : i32
        %add3A_824 = arith.addi %mul3A_2, %mul3A_823 : i32
        %add3A_825 = arith.constant 0 : i32
        %add3A_826 = arith.addi %add3A_824, %add3A_825 : i32
        %dma_wait3A_827 = arith.constant 3 : i32
        %dma_wait3A_828 = arith.constant 0 : i32
        %dma_wait3A_829 = arith.constant 0 : i32
        %dma_wait3A_830 = tpu.memref_slice %arg6[%dma_wait3A_827, %dma_wait3A_828, %dma_wait3A_829] : memref<4x104x64xf32, #tpu.memory_space<vmem>> -> memref<1x26x64xf32, #tpu.memory_space<vmem>>
        %dma_wait3A_831 = tpu.memref_squeeze %dma_wait3A_830 : memref<1x26x64xf32, #tpu.memory_space<vmem>> -> memref<26x64xf32, #tpu.memory_space<vmem>>
        %dma_wait3A_832 = arith.constant 0 : i32
        %dma_wait3A_833 = arith.constant 0 : i32
        %dma_wait3A_834 = tpu.memref_slice %arg4[%add3A_826, %dma_wait3A_832, %dma_wait3A_833] : memref<4096x32x128xf32, #tpu.memory_space<hbm>> -> memref<1x26x64xf32, #tpu.memory_space<hbm>>
        %dma_wait3A_835 = tpu.memref_squeeze %dma_wait3A_834 : memref<1x26x64xf32, #tpu.memory_space<hbm>> -> memref<26x64xf32, #tpu.memory_space<hbm>>
        %dma_wait3A_836 = arith.constant 0 : i32
        %dma_wait3A_837 = arith.constant 0 : i32
        %dma_wait3A_838 = tpu.memref_slice %arg4[%add3A_826, %dma_wait3A_836, %dma_wait3A_837] : memref<4096x32x128xf32, #tpu.memory_space<hbm>> -> memref<1x26x64xf32, #tpu.memory_space<hbm>>
        %dma_wait3A_839 = tpu.memref_squeeze %dma_wait3A_838 : memref<1x26x64xf32, #tpu.memory_space<hbm>> -> memref<26x64xf32, #tpu.memory_space<hbm>>
        %dma_wait3A_840 = arith.constant 0 : i32
        %dma_wait3A_841 = arith.constant 0 : i32
        %dma_wait3A_842 = tpu.memref_slice %arg6[%dma_wait3A_827, %dma_wait3A_840, %dma_wait3A_841] : memref<4x104x64xf32, #tpu.memory_space<vmem>> -> memref<1x26x64xf32, #tpu.memory_space<vmem>>
        %dma_wait3A_843 = tpu.memref_squeeze %dma_wait3A_842 : memref<1x26x64xf32, #tpu.memory_space<vmem>> -> memref<26x64xf32, #tpu.memory_space<vmem>>
        tpu.wait_dma2 semaphore(%arg14 : memref<!tpu.dma_semaphore, #tpu.memory_space<semaphore_mem>>) src(%dma_wait3A_843 : memref<26x64xf32, #tpu.memory_space<vmem>>) dst(%dma_wait3A_839 : memref<26x64xf32, #tpu.memory_space<hbm>>)
        %mul3A_844 = arith.constant 4 : i32
        %mul3A_845 = arith.muli %add3A_715, %mul3A_844 : i32
        %add3A_846 = arith.addi %mul3A_2, %mul3A_845 : i32
        %add3A_847 = arith.constant 1 : i32
        %add3A_848 = arith.addi %add3A_846, %add3A_847 : i32
        %dma_wait3A_849 = arith.constant 3 : i32
        %dma_wait3A_850 = arith.constant 26 : i32
        %dma_wait3A_851 = arith.constant 0 : i32
        %dma_wait3A_852 = tpu.memref_slice %arg6[%dma_wait3A_849, %dma_wait3A_850, %dma_wait3A_851] : memref<4x104x64xf32, #tpu.memory_space<vmem>> -> memref<1x26x64xf32, #tpu.memory_space<vmem>>
        %dma_wait3A_853 = tpu.memref_squeeze %dma_wait3A_852 : memref<1x26x64xf32, #tpu.memory_space<vmem>> -> memref<26x64xf32, #tpu.memory_space<vmem>>
        %dma_wait3A_854 = arith.constant 0 : i32
        %dma_wait3A_855 = arith.constant 0 : i32
        %dma_wait3A_856 = tpu.memref_slice %arg4[%add3A_848, %dma_wait3A_854, %dma_wait3A_855] : memref<4096x32x128xf32, #tpu.memory_space<hbm>> -> memref<1x26x64xf32, #tpu.memory_space<hbm>>
        %dma_wait3A_857 = tpu.memref_squeeze %dma_wait3A_856 : memref<1x26x64xf32, #tpu.memory_space<hbm>> -> memref<26x64xf32, #tpu.memory_space<hbm>>
        %dma_wait3A_858 = arith.constant 0 : i32
        %dma_wait3A_859 = arith.constant 0 : i32
        %dma_wait3A_860 = tpu.memref_slice %arg4[%add3A_848, %dma_wait3A_858, %dma_wait3A_859] : memref<4096x32x128xf32, #tpu.memory_space<hbm>> -> memref<1x26x64xf32, #tpu.memory_space<hbm>>
        %dma_wait3A_861 = tpu.memref_squeeze %dma_wait3A_860 : memref<1x26x64xf32, #tpu.memory_space<hbm>> -> memref<26x64xf32, #tpu.memory_space<hbm>>
        %dma_wait3A_862 = arith.constant 26 : i32
        %dma_wait3A_863 = arith.constant 0 : i32
        %dma_wait3A_864 = tpu.memref_slice %arg6[%dma_wait3A_849, %dma_wait3A_862, %dma_wait3A_863] : memref<4x104x64xf32, #tpu.memory_space<vmem>> -> memref<1x26x64xf32, #tpu.memory_space<vmem>>
        %dma_wait3A_865 = tpu.memref_squeeze %dma_wait3A_864 : memref<1x26x64xf32, #tpu.memory_space<vmem>> -> memref<26x64xf32, #tpu.memory_space<vmem>>
        tpu.wait_dma2 semaphore(%arg14 : memref<!tpu.dma_semaphore, #tpu.memory_space<semaphore_mem>>) src(%dma_wait3A_865 : memref<26x64xf32, #tpu.memory_space<vmem>>) dst(%dma_wait3A_861 : memref<26x64xf32, #tpu.memory_space<hbm>>)
        %mul3A_866 = arith.constant 4 : i32
        %mul3A_867 = arith.muli %add3A_715, %mul3A_866 : i32
        %add3A_868 = arith.addi %mul3A_2, %mul3A_867 : i32
        %add3A_869 = arith.constant 2 : i32
        %add3A_870 = arith.addi %add3A_868, %add3A_869 : i32
        %dma_wait3A_871 = arith.constant 3 : i32
        %dma_wait3A_872 = arith.constant 52 : i32
        %dma_wait3A_873 = arith.constant 0 : i32
        %dma_wait3A_874 = tpu.memref_slice %arg6[%dma_wait3A_871, %dma_wait3A_872, %dma_wait3A_873] : memref<4x104x64xf32, #tpu.memory_space<vmem>> -> memref<1x26x64xf32, #tpu.memory_space<vmem>>
        %dma_wait3A_875 = tpu.memref_squeeze %dma_wait3A_874 : memref<1x26x64xf32, #tpu.memory_space<vmem>> -> memref<26x64xf32, #tpu.memory_space<vmem>>
        %dma_wait3A_876 = arith.constant 0 : i32
        %dma_wait3A_877 = arith.constant 0 : i32
        %dma_wait3A_878 = tpu.memref_slice %arg4[%add3A_870, %dma_wait3A_876, %dma_wait3A_877] : memref<4096x32x128xf32, #tpu.memory_space<hbm>> -> memref<1x26x64xf32, #tpu.memory_space<hbm>>
        %dma_wait3A_879 = tpu.memref_squeeze %dma_wait3A_878 : memref<1x26x64xf32, #tpu.memory_space<hbm>> -> memref<26x64xf32, #tpu.memory_space<hbm>>
        %dma_wait3A_880 = arith.constant 0 : i32
        %dma_wait3A_881 = arith.constant 0 : i32
        %dma_wait3A_882 = tpu.memref_slice %arg4[%add3A_870, %dma_wait3A_880, %dma_wait3A_881] : memref<4096x32x128xf32, #tpu.memory_space<hbm>> -> memref<1x26x64xf32, #tpu.memory_space<hbm>>
        %dma_wait3A_883 = tpu.memref_squeeze %dma_wait3A_882 : memref<1x26x64xf32, #tpu.memory_space<hbm>> -> memref<26x64xf32, #tpu.memory_space<hbm>>
        %dma_wait3A_884 = arith.constant 52 : i32
        %dma_wait3A_885 = arith.constant 0 : i32
        %dma_wait3A_886 = tpu.memref_slice %arg6[%dma_wait3A_871, %dma_wait3A_884, %dma_wait3A_885] : memref<4x104x64xf32, #tpu.memory_space<vmem>> -> memref<1x26x64xf32, #tpu.memory_space<vmem>>
        %dma_wait3A_887 = tpu.memref_squeeze %dma_wait3A_886 : memref<1x26x64xf32, #tpu.memory_space<vmem>> -> memref<26x64xf32, #tpu.memory_space<vmem>>
        tpu.wait_dma2 semaphore(%arg14 : memref<!tpu.dma_semaphore, #tpu.memory_space<semaphore_mem>>) src(%dma_wait3A_887 : memref<26x64xf32, #tpu.memory_space<vmem>>) dst(%dma_wait3A_883 : memref<26x64xf32, #tpu.memory_space<hbm>>)
        %mul3A_888 = arith.constant 4 : i32
        %mul3A_889 = arith.muli %add3A_715, %mul3A_888 : i32
        %add3A_890 = arith.addi %mul3A_2, %mul3A_889 : i32
        %add3A_891 = arith.constant 3 : i32
        %add3A_892 = arith.addi %add3A_890, %add3A_891 : i32
        %dma_wait3A_893 = arith.constant 3 : i32
        %dma_wait3A_894 = arith.constant 78 : i32
        %dma_wait3A_895 = arith.constant 0 : i32
        %dma_wait3A_896 = tpu.memref_slice %arg6[%dma_wait3A_893, %dma_wait3A_894, %dma_wait3A_895] : memref<4x104x64xf32, #tpu.memory_space<vmem>> -> memref<1x26x64xf32, #tpu.memory_space<vmem>>
        %dma_wait3A_897 = tpu.memref_squeeze %dma_wait3A_896 : memref<1x26x64xf32, #tpu.memory_space<vmem>> -> memref<26x64xf32, #tpu.memory_space<vmem>>
        %dma_wait3A_898 = arith.constant 0 : i32
        %dma_wait3A_899 = arith.constant 0 : i32
        %dma_wait3A_900 = tpu.memref_slice %arg4[%add3A_892, %dma_wait3A_898, %dma_wait3A_899] : memref<4096x32x128xf32, #tpu.memory_space<hbm>> -> memref<1x26x64xf32, #tpu.memory_space<hbm>>
        %dma_wait3A_901 = tpu.memref_squeeze %dma_wait3A_900 : memref<1x26x64xf32, #tpu.memory_space<hbm>> -> memref<26x64xf32, #tpu.memory_space<hbm>>
        %dma_wait3A_902 = arith.constant 0 : i32
        %dma_wait3A_903 = arith.constant 0 : i32
        %dma_wait3A_904 = tpu.memref_slice %arg4[%add3A_892, %dma_wait3A_902, %dma_wait3A_903] : memref<4096x32x128xf32, #tpu.memory_space<hbm>> -> memref<1x26x64xf32, #tpu.memory_space<hbm>>
        %dma_wait3A_905 = tpu.memref_squeeze %dma_wait3A_904 : memref<1x26x64xf32, #tpu.memory_space<hbm>> -> memref<26x64xf32, #tpu.memory_space<hbm>>
        %dma_wait3A_906 = arith.constant 78 : i32
        %dma_wait3A_907 = arith.constant 0 : i32
        %dma_wait3A_908 = tpu.memref_slice %arg6[%dma_wait3A_893, %dma_wait3A_906, %dma_wait3A_907] : memref<4x104x64xf32, #tpu.memory_space<vmem>> -> memref<1x26x64xf32, #tpu.memory_space<vmem>>
        %dma_wait3A_909 = tpu.memref_squeeze %dma_wait3A_908 : memref<1x26x64xf32, #tpu.memory_space<vmem>> -> memref<26x64xf32, #tpu.memory_space<vmem>>
        tpu.wait_dma2 semaphore(%arg14 : memref<!tpu.dma_semaphore, #tpu.memory_space<semaphore_mem>>) src(%dma_wait3A_909 : memref<26x64xf32, #tpu.memory_space<vmem>>) dst(%dma_wait3A_905 : memref<26x64xf32, #tpu.memory_space<hbm>>)
        %mul3A_910 = arith.constant 104 : i32
        %mul3A_911 = arith.muli %add3A_816, %mul3A_910 : i32
        %dma_start3A_912 = arith.constant 3 : i32
        %dma_start3A_913 = arith.constant 0 : i32
        %dma_start3A_914 = arith.constant 0 : i32
        %dma_start3A_915 = tpu.memref_slice %arg6[%dma_start3A_912, %dma_start3A_913, %dma_start3A_914] : memref<4x104x64xf32, #tpu.memory_space<vmem>> -> memref<1x104x64xf32, #tpu.memory_space<vmem>>
        %dma_start3A_916 = tpu.memref_squeeze %dma_start3A_915 : memref<1x104x64xf32, #tpu.memory_space<vmem>> -> memref<104x64xf32, #tpu.memory_space<vmem>>
        %dma_start3A_917 = tpu.memref_slice %arg5[%mul3A_911] : memref<3328xi32, #tpu.memory_space<vmem>> -> memref<104xi32, #tpu.memory_space<vmem>>
        %dma_start3A_918 = arith.constant 0 : i32
        %dma_start3A_919 = arith.constant 0 : i32
        %dma_start3A_920 = tpu.memref_slice %arg3[%dma_start3A_918, %dma_start3A_919] : memref<100000x64xf32, #tpu.memory_space<hbm>> -> memref<100000x64xf32, #tpu.memory_space<hbm>>
        tpu.enqueue_indirect_dma source(%dma_start3A_920 : memref<100000x64xf32, #tpu.memory_space<hbm>>) target(%dma_start3A_916 : memref<104x64xf32, #tpu.memory_space<vmem>>) offsets(%dma_start3A_917 : memref<104xi32, #tpu.memory_space<vmem>>) semaphore(%arg10 : memref<!tpu.dma_semaphore, #tpu.memory_space<semaphore_mem>>)
      } else {
      }
    }
    %scan3A_48 = arith.constant 8 : i32
    %add3A_49 = arith.constant 112 : i32
    %add3A_50 = arith.addi %mul3A_2, %add3A_49 : i32
    %add3A_51 = arith.constant 0 : i32
    %add3A_52 = arith.addi %add3A_50, %add3A_51 : i32
    %dma_wait3A = arith.constant 0 : i32
    %dma_wait3A_53 = arith.constant 0 : i32
    %dma_wait3A_54 = arith.constant 0 : i32
    %dma_wait3A_55 = tpu.memref_slice %arg6[%dma_wait3A, %dma_wait3A_53, %dma_wait3A_54] : memref<4x104x64xf32, #tpu.memory_space<vmem>> -> memref<1x26x64xf32, #tpu.memory_space<vmem>>
    %dma_wait3A_56 = tpu.memref_squeeze %dma_wait3A_55 : memref<1x26x64xf32, #tpu.memory_space<vmem>> -> memref<26x64xf32, #tpu.memory_space<vmem>>
    %dma_wait3A_57 = arith.constant 0 : i32
    %dma_wait3A_58 = arith.constant 0 : i32
    %dma_wait3A_59 = tpu.memref_slice %arg4[%add3A_52, %dma_wait3A_57, %dma_wait3A_58] : memref<4096x32x128xf32, #tpu.memory_space<hbm>> -> memref<1x26x64xf32, #tpu.memory_space<hbm>>
    %dma_wait3A_60 = tpu.memref_squeeze %dma_wait3A_59 : memref<1x26x64xf32, #tpu.memory_space<hbm>> -> memref<26x64xf32, #tpu.memory_space<hbm>>
    %dma_wait3A_61 = arith.constant 0 : i32
    %dma_wait3A_62 = arith.constant 0 : i32
    %dma_wait3A_63 = tpu.memref_slice %arg4[%add3A_52, %dma_wait3A_61, %dma_wait3A_62] : memref<4096x32x128xf32, #tpu.memory_space<hbm>> -> memref<1x26x64xf32, #tpu.memory_space<hbm>>
    %dma_wait3A_64 = tpu.memref_squeeze %dma_wait3A_63 : memref<1x26x64xf32, #tpu.memory_space<hbm>> -> memref<26x64xf32, #tpu.memory_space<hbm>>
    %dma_wait3A_65 = arith.constant 0 : i32
    %dma_wait3A_66 = arith.constant 0 : i32
    %dma_wait3A_67 = tpu.memref_slice %arg6[%dma_wait3A, %dma_wait3A_65, %dma_wait3A_66] : memref<4x104x64xf32, #tpu.memory_space<vmem>> -> memref<1x26x64xf32, #tpu.memory_space<vmem>>
    %dma_wait3A_68 = tpu.memref_squeeze %dma_wait3A_67 : memref<1x26x64xf32, #tpu.memory_space<vmem>> -> memref<26x64xf32, #tpu.memory_space<vmem>>
    tpu.wait_dma2 semaphore(%arg11 : memref<!tpu.dma_semaphore, #tpu.memory_space<semaphore_mem>>) src(%dma_wait3A_68 : memref<26x64xf32, #tpu.memory_space<vmem>>) dst(%dma_wait3A_64 : memref<26x64xf32, #tpu.memory_space<hbm>>)
    %add3A_69 = arith.constant 112 : i32
    %add3A_70 = arith.addi %mul3A_2, %add3A_69 : i32
    %add3A_71 = arith.constant 1 : i32
    %add3A_72 = arith.addi %add3A_70, %add3A_71 : i32
    %dma_wait3A_73 = arith.constant 0 : i32
    %dma_wait3A_74 = arith.constant 26 : i32
    %dma_wait3A_75 = arith.constant 0 : i32
    %dma_wait3A_76 = tpu.memref_slice %arg6[%dma_wait3A_73, %dma_wait3A_74, %dma_wait3A_75] : memref<4x104x64xf32, #tpu.memory_space<vmem>> -> memref<1x26x64xf32, #tpu.memory_space<vmem>>
    %dma_wait3A_77 = tpu.memref_squeeze %dma_wait3A_76 : memref<1x26x64xf32, #tpu.memory_space<vmem>> -> memref<26x64xf32, #tpu.memory_space<vmem>>
    %dma_wait3A_78 = arith.constant 0 : i32
    %dma_wait3A_79 = arith.constant 0 : i32
    %dma_wait3A_80 = tpu.memref_slice %arg4[%add3A_72, %dma_wait3A_78, %dma_wait3A_79] : memref<4096x32x128xf32, #tpu.memory_space<hbm>> -> memref<1x26x64xf32, #tpu.memory_space<hbm>>
    %dma_wait3A_81 = tpu.memref_squeeze %dma_wait3A_80 : memref<1x26x64xf32, #tpu.memory_space<hbm>> -> memref<26x64xf32, #tpu.memory_space<hbm>>
    %dma_wait3A_82 = arith.constant 0 : i32
    %dma_wait3A_83 = arith.constant 0 : i32
    %dma_wait3A_84 = tpu.memref_slice %arg4[%add3A_72, %dma_wait3A_82, %dma_wait3A_83] : memref<4096x32x128xf32, #tpu.memory_space<hbm>> -> memref<1x26x64xf32, #tpu.memory_space<hbm>>
    %dma_wait3A_85 = tpu.memref_squeeze %dma_wait3A_84 : memref<1x26x64xf32, #tpu.memory_space<hbm>> -> memref<26x64xf32, #tpu.memory_space<hbm>>
    %dma_wait3A_86 = arith.constant 26 : i32
    %dma_wait3A_87 = arith.constant 0 : i32
    %dma_wait3A_88 = tpu.memref_slice %arg6[%dma_wait3A_73, %dma_wait3A_86, %dma_wait3A_87] : memref<4x104x64xf32, #tpu.memory_space<vmem>> -> memref<1x26x64xf32, #tpu.memory_space<vmem>>
    %dma_wait3A_89 = tpu.memref_squeeze %dma_wait3A_88 : memref<1x26x64xf32, #tpu.memory_space<vmem>> -> memref<26x64xf32, #tpu.memory_space<vmem>>
    tpu.wait_dma2 semaphore(%arg11 : memref<!tpu.dma_semaphore, #tpu.memory_space<semaphore_mem>>) src(%dma_wait3A_89 : memref<26x64xf32, #tpu.memory_space<vmem>>) dst(%dma_wait3A_85 : memref<26x64xf32, #tpu.memory_space<hbm>>)
    %add3A_90 = arith.constant 112 : i32
    %add3A_91 = arith.addi %mul3A_2, %add3A_90 : i32
    %add3A_92 = arith.constant 2 : i32
    %add3A_93 = arith.addi %add3A_91, %add3A_92 : i32
    %dma_wait3A_94 = arith.constant 0 : i32
    %dma_wait3A_95 = arith.constant 52 : i32
    %dma_wait3A_96 = arith.constant 0 : i32
    %dma_wait3A_97 = tpu.memref_slice %arg6[%dma_wait3A_94, %dma_wait3A_95, %dma_wait3A_96] : memref<4x104x64xf32, #tpu.memory_space<vmem>> -> memref<1x26x64xf32, #tpu.memory_space<vmem>>
    %dma_wait3A_98 = tpu.memref_squeeze %dma_wait3A_97 : memref<1x26x64xf32, #tpu.memory_space<vmem>> -> memref<26x64xf32, #tpu.memory_space<vmem>>
    %dma_wait3A_99 = arith.constant 0 : i32
    %dma_wait3A_100 = arith.constant 0 : i32
    %dma_wait3A_101 = tpu.memref_slice %arg4[%add3A_93, %dma_wait3A_99, %dma_wait3A_100] : memref<4096x32x128xf32, #tpu.memory_space<hbm>> -> memref<1x26x64xf32, #tpu.memory_space<hbm>>
    %dma_wait3A_102 = tpu.memref_squeeze %dma_wait3A_101 : memref<1x26x64xf32, #tpu.memory_space<hbm>> -> memref<26x64xf32, #tpu.memory_space<hbm>>
    %dma_wait3A_103 = arith.constant 0 : i32
    %dma_wait3A_104 = arith.constant 0 : i32
    %dma_wait3A_105 = tpu.memref_slice %arg4[%add3A_93, %dma_wait3A_103, %dma_wait3A_104] : memref<4096x32x128xf32, #tpu.memory_space<hbm>> -> memref<1x26x64xf32, #tpu.memory_space<hbm>>
    %dma_wait3A_106 = tpu.memref_squeeze %dma_wait3A_105 : memref<1x26x64xf32, #tpu.memory_space<hbm>> -> memref<26x64xf32, #tpu.memory_space<hbm>>
    %dma_wait3A_107 = arith.constant 52 : i32
    %dma_wait3A_108 = arith.constant 0 : i32
    %dma_wait3A_109 = tpu.memref_slice %arg6[%dma_wait3A_94, %dma_wait3A_107, %dma_wait3A_108] : memref<4x104x64xf32, #tpu.memory_space<vmem>> -> memref<1x26x64xf32, #tpu.memory_space<vmem>>
    %dma_wait3A_110 = tpu.memref_squeeze %dma_wait3A_109 : memref<1x26x64xf32, #tpu.memory_space<vmem>> -> memref<26x64xf32, #tpu.memory_space<vmem>>
    tpu.wait_dma2 semaphore(%arg11 : memref<!tpu.dma_semaphore, #tpu.memory_space<semaphore_mem>>) src(%dma_wait3A_110 : memref<26x64xf32, #tpu.memory_space<vmem>>) dst(%dma_wait3A_106 : memref<26x64xf32, #tpu.memory_space<hbm>>)
    %add3A_111 = arith.constant 112 : i32
    %add3A_112 = arith.addi %mul3A_2, %add3A_111 : i32
    %add3A_113 = arith.constant 3 : i32
    %add3A_114 = arith.addi %add3A_112, %add3A_113 : i32
    %dma_wait3A_115 = arith.constant 0 : i32
    %dma_wait3A_116 = arith.constant 78 : i32
    %dma_wait3A_117 = arith.constant 0 : i32
    %dma_wait3A_118 = tpu.memref_slice %arg6[%dma_wait3A_115, %dma_wait3A_116, %dma_wait3A_117] : memref<4x104x64xf32, #tpu.memory_space<vmem>> -> memref<1x26x64xf32, #tpu.memory_space<vmem>>
    %dma_wait3A_119 = tpu.memref_squeeze %dma_wait3A_118 : memref<1x26x64xf32, #tpu.memory_space<vmem>> -> memref<26x64xf32, #tpu.memory_space<vmem>>
    %dma_wait3A_120 = arith.constant 0 : i32
    %dma_wait3A_121 = arith.constant 0 : i32
    %dma_wait3A_122 = tpu.memref_slice %arg4[%add3A_114, %dma_wait3A_120, %dma_wait3A_121] : memref<4096x32x128xf32, #tpu.memory_space<hbm>> -> memref<1x26x64xf32, #tpu.memory_space<hbm>>
    %dma_wait3A_123 = tpu.memref_squeeze %dma_wait3A_122 : memref<1x26x64xf32, #tpu.memory_space<hbm>> -> memref<26x64xf32, #tpu.memory_space<hbm>>
    %dma_wait3A_124 = arith.constant 0 : i32
    %dma_wait3A_125 = arith.constant 0 : i32
    %dma_wait3A_126 = tpu.memref_slice %arg4[%add3A_114, %dma_wait3A_124, %dma_wait3A_125] : memref<4096x32x128xf32, #tpu.memory_space<hbm>> -> memref<1x26x64xf32, #tpu.memory_space<hbm>>
    %dma_wait3A_127 = tpu.memref_squeeze %dma_wait3A_126 : memref<1x26x64xf32, #tpu.memory_space<hbm>> -> memref<26x64xf32, #tpu.memory_space<hbm>>
    %dma_wait3A_128 = arith.constant 78 : i32
    %dma_wait3A_129 = arith.constant 0 : i32
    %dma_wait3A_130 = tpu.memref_slice %arg6[%dma_wait3A_115, %dma_wait3A_128, %dma_wait3A_129] : memref<4x104x64xf32, #tpu.memory_space<vmem>> -> memref<1x26x64xf32, #tpu.memory_space<vmem>>
    %dma_wait3A_131 = tpu.memref_squeeze %dma_wait3A_130 : memref<1x26x64xf32, #tpu.memory_space<vmem>> -> memref<26x64xf32, #tpu.memory_space<vmem>>
    tpu.wait_dma2 semaphore(%arg11 : memref<!tpu.dma_semaphore, #tpu.memory_space<semaphore_mem>>) src(%dma_wait3A_131 : memref<26x64xf32, #tpu.memory_space<vmem>>) dst(%dma_wait3A_127 : memref<26x64xf32, #tpu.memory_space<hbm>>)
    %add3A_132 = arith.constant 116 : i32
    %add3A_133 = arith.addi %mul3A_2, %add3A_132 : i32
    %add3A_134 = arith.constant 0 : i32
    %add3A_135 = arith.addi %add3A_133, %add3A_134 : i32
    %dma_wait3A_136 = arith.constant 1 : i32
    %dma_wait3A_137 = arith.constant 0 : i32
    %dma_wait3A_138 = arith.constant 0 : i32
    %dma_wait3A_139 = tpu.memref_slice %arg6[%dma_wait3A_136, %dma_wait3A_137, %dma_wait3A_138] : memref<4x104x64xf32, #tpu.memory_space<vmem>> -> memref<1x26x64xf32, #tpu.memory_space<vmem>>
    %dma_wait3A_140 = tpu.memref_squeeze %dma_wait3A_139 : memref<1x26x64xf32, #tpu.memory_space<vmem>> -> memref<26x64xf32, #tpu.memory_space<vmem>>
    %dma_wait3A_141 = arith.constant 0 : i32
    %dma_wait3A_142 = arith.constant 0 : i32
    %dma_wait3A_143 = tpu.memref_slice %arg4[%add3A_135, %dma_wait3A_141, %dma_wait3A_142] : memref<4096x32x128xf32, #tpu.memory_space<hbm>> -> memref<1x26x64xf32, #tpu.memory_space<hbm>>
    %dma_wait3A_144 = tpu.memref_squeeze %dma_wait3A_143 : memref<1x26x64xf32, #tpu.memory_space<hbm>> -> memref<26x64xf32, #tpu.memory_space<hbm>>
    %dma_wait3A_145 = arith.constant 0 : i32
    %dma_wait3A_146 = arith.constant 0 : i32
    %dma_wait3A_147 = tpu.memref_slice %arg4[%add3A_135, %dma_wait3A_145, %dma_wait3A_146] : memref<4096x32x128xf32, #tpu.memory_space<hbm>> -> memref<1x26x64xf32, #tpu.memory_space<hbm>>
    %dma_wait3A_148 = tpu.memref_squeeze %dma_wait3A_147 : memref<1x26x64xf32, #tpu.memory_space<hbm>> -> memref<26x64xf32, #tpu.memory_space<hbm>>
    %dma_wait3A_149 = arith.constant 0 : i32
    %dma_wait3A_150 = arith.constant 0 : i32
    %dma_wait3A_151 = tpu.memref_slice %arg6[%dma_wait3A_136, %dma_wait3A_149, %dma_wait3A_150] : memref<4x104x64xf32, #tpu.memory_space<vmem>> -> memref<1x26x64xf32, #tpu.memory_space<vmem>>
    %dma_wait3A_152 = tpu.memref_squeeze %dma_wait3A_151 : memref<1x26x64xf32, #tpu.memory_space<vmem>> -> memref<26x64xf32, #tpu.memory_space<vmem>>
    tpu.wait_dma2 semaphore(%arg12 : memref<!tpu.dma_semaphore, #tpu.memory_space<semaphore_mem>>) src(%dma_wait3A_152 : memref<26x64xf32, #tpu.memory_space<vmem>>) dst(%dma_wait3A_148 : memref<26x64xf32, #tpu.memory_space<hbm>>)
    %add3A_153 = arith.constant 116 : i32
    %add3A_154 = arith.addi %mul3A_2, %add3A_153 : i32
    %add3A_155 = arith.constant 1 : i32
    %add3A_156 = arith.addi %add3A_154, %add3A_155 : i32
    %dma_wait3A_157 = arith.constant 1 : i32
    %dma_wait3A_158 = arith.constant 26 : i32
    %dma_wait3A_159 = arith.constant 0 : i32
    %dma_wait3A_160 = tpu.memref_slice %arg6[%dma_wait3A_157, %dma_wait3A_158, %dma_wait3A_159] : memref<4x104x64xf32, #tpu.memory_space<vmem>> -> memref<1x26x64xf32, #tpu.memory_space<vmem>>
    %dma_wait3A_161 = tpu.memref_squeeze %dma_wait3A_160 : memref<1x26x64xf32, #tpu.memory_space<vmem>> -> memref<26x64xf32, #tpu.memory_space<vmem>>
    %dma_wait3A_162 = arith.constant 0 : i32
    %dma_wait3A_163 = arith.constant 0 : i32
    %dma_wait3A_164 = tpu.memref_slice %arg4[%add3A_156, %dma_wait3A_162, %dma_wait3A_163] : memref<4096x32x128xf32, #tpu.memory_space<hbm>> -> memref<1x26x64xf32, #tpu.memory_space<hbm>>
    %dma_wait3A_165 = tpu.memref_squeeze %dma_wait3A_164 : memref<1x26x64xf32, #tpu.memory_space<hbm>> -> memref<26x64xf32, #tpu.memory_space<hbm>>
    %dma_wait3A_166 = arith.constant 0 : i32
    %dma_wait3A_167 = arith.constant 0 : i32
    %dma_wait3A_168 = tpu.memref_slice %arg4[%add3A_156, %dma_wait3A_166, %dma_wait3A_167] : memref<4096x32x128xf32, #tpu.memory_space<hbm>> -> memref<1x26x64xf32, #tpu.memory_space<hbm>>
    %dma_wait3A_169 = tpu.memref_squeeze %dma_wait3A_168 : memref<1x26x64xf32, #tpu.memory_space<hbm>> -> memref<26x64xf32, #tpu.memory_space<hbm>>
    %dma_wait3A_170 = arith.constant 26 : i32
    %dma_wait3A_171 = arith.constant 0 : i32
    %dma_wait3A_172 = tpu.memref_slice %arg6[%dma_wait3A_157, %dma_wait3A_170, %dma_wait3A_171] : memref<4x104x64xf32, #tpu.memory_space<vmem>> -> memref<1x26x64xf32, #tpu.memory_space<vmem>>
    %dma_wait3A_173 = tpu.memref_squeeze %dma_wait3A_172 : memref<1x26x64xf32, #tpu.memory_space<vmem>> -> memref<26x64xf32, #tpu.memory_space<vmem>>
    tpu.wait_dma2 semaphore(%arg12 : memref<!tpu.dma_semaphore, #tpu.memory_space<semaphore_mem>>) src(%dma_wait3A_173 : memref<26x64xf32, #tpu.memory_space<vmem>>) dst(%dma_wait3A_169 : memref<26x64xf32, #tpu.memory_space<hbm>>)
    %add3A_174 = arith.constant 116 : i32
    %add3A_175 = arith.addi %mul3A_2, %add3A_174 : i32
    %add3A_176 = arith.constant 2 : i32
    %add3A_177 = arith.addi %add3A_175, %add3A_176 : i32
    %dma_wait3A_178 = arith.constant 1 : i32
    %dma_wait3A_179 = arith.constant 52 : i32
    %dma_wait3A_180 = arith.constant 0 : i32
    %dma_wait3A_181 = tpu.memref_slice %arg6[%dma_wait3A_178, %dma_wait3A_179, %dma_wait3A_180] : memref<4x104x64xf32, #tpu.memory_space<vmem>> -> memref<1x26x64xf32, #tpu.memory_space<vmem>>
    %dma_wait3A_182 = tpu.memref_squeeze %dma_wait3A_181 : memref<1x26x64xf32, #tpu.memory_space<vmem>> -> memref<26x64xf32, #tpu.memory_space<vmem>>
    %dma_wait3A_183 = arith.constant 0 : i32
    %dma_wait3A_184 = arith.constant 0 : i32
    %dma_wait3A_185 = tpu.memref_slice %arg4[%add3A_177, %dma_wait3A_183, %dma_wait3A_184] : memref<4096x32x128xf32, #tpu.memory_space<hbm>> -> memref<1x26x64xf32, #tpu.memory_space<hbm>>
    %dma_wait3A_186 = tpu.memref_squeeze %dma_wait3A_185 : memref<1x26x64xf32, #tpu.memory_space<hbm>> -> memref<26x64xf32, #tpu.memory_space<hbm>>
    %dma_wait3A_187 = arith.constant 0 : i32
    %dma_wait3A_188 = arith.constant 0 : i32
    %dma_wait3A_189 = tpu.memref_slice %arg4[%add3A_177, %dma_wait3A_187, %dma_wait3A_188] : memref<4096x32x128xf32, #tpu.memory_space<hbm>> -> memref<1x26x64xf32, #tpu.memory_space<hbm>>
    %dma_wait3A_190 = tpu.memref_squeeze %dma_wait3A_189 : memref<1x26x64xf32, #tpu.memory_space<hbm>> -> memref<26x64xf32, #tpu.memory_space<hbm>>
    %dma_wait3A_191 = arith.constant 52 : i32
    %dma_wait3A_192 = arith.constant 0 : i32
    %dma_wait3A_193 = tpu.memref_slice %arg6[%dma_wait3A_178, %dma_wait3A_191, %dma_wait3A_192] : memref<4x104x64xf32, #tpu.memory_space<vmem>> -> memref<1x26x64xf32, #tpu.memory_space<vmem>>
    %dma_wait3A_194 = tpu.memref_squeeze %dma_wait3A_193 : memref<1x26x64xf32, #tpu.memory_space<vmem>> -> memref<26x64xf32, #tpu.memory_space<vmem>>
    tpu.wait_dma2 semaphore(%arg12 : memref<!tpu.dma_semaphore, #tpu.memory_space<semaphore_mem>>) src(%dma_wait3A_194 : memref<26x64xf32, #tpu.memory_space<vmem>>) dst(%dma_wait3A_190 : memref<26x64xf32, #tpu.memory_space<hbm>>)
    %add3A_195 = arith.constant 116 : i32
    %add3A_196 = arith.addi %mul3A_2, %add3A_195 : i32
    %add3A_197 = arith.constant 3 : i32
    %add3A_198 = arith.addi %add3A_196, %add3A_197 : i32
    %dma_wait3A_199 = arith.constant 1 : i32
    %dma_wait3A_200 = arith.constant 78 : i32
    %dma_wait3A_201 = arith.constant 0 : i32
    %dma_wait3A_202 = tpu.memref_slice %arg6[%dma_wait3A_199, %dma_wait3A_200, %dma_wait3A_201] : memref<4x104x64xf32, #tpu.memory_space<vmem>> -> memref<1x26x64xf32, #tpu.memory_space<vmem>>
    %dma_wait3A_203 = tpu.memref_squeeze %dma_wait3A_202 : memref<1x26x64xf32, #tpu.memory_space<vmem>> -> memref<26x64xf32, #tpu.memory_space<vmem>>
    %dma_wait3A_204 = arith.constant 0 : i32
    %dma_wait3A_205 = arith.constant 0 : i32
    %dma_wait3A_206 = tpu.memref_slice %arg4[%add3A_198, %dma_wait3A_204, %dma_wait3A_205] : memref<4096x32x128xf32, #tpu.memory_space<hbm>> -> memref<1x26x64xf32, #tpu.memory_space<hbm>>
    %dma_wait3A_207 = tpu.memref_squeeze %dma_wait3A_206 : memref<1x26x64xf32, #tpu.memory_space<hbm>> -> memref<26x64xf32, #tpu.memory_space<hbm>>
    %dma_wait3A_208 = arith.constant 0 : i32
    %dma_wait3A_209 = arith.constant 0 : i32
    %dma_wait3A_210 = tpu.memref_slice %arg4[%add3A_198, %dma_wait3A_208, %dma_wait3A_209] : memref<4096x32x128xf32, #tpu.memory_space<hbm>> -> memref<1x26x64xf32, #tpu.memory_space<hbm>>
    %dma_wait3A_211 = tpu.memref_squeeze %dma_wait3A_210 : memref<1x26x64xf32, #tpu.memory_space<hbm>> -> memref<26x64xf32, #tpu.memory_space<hbm>>
    %dma_wait3A_212 = arith.constant 78 : i32
    %dma_wait3A_213 = arith.constant 0 : i32
    %dma_wait3A_214 = tpu.memref_slice %arg6[%dma_wait3A_199, %dma_wait3A_212, %dma_wait3A_213] : memref<4x104x64xf32, #tpu.memory_space<vmem>> -> memref<1x26x64xf32, #tpu.memory_space<vmem>>
    %dma_wait3A_215 = tpu.memref_squeeze %dma_wait3A_214 : memref<1x26x64xf32, #tpu.memory_space<vmem>> -> memref<26x64xf32, #tpu.memory_space<vmem>>
    tpu.wait_dma2 semaphore(%arg12 : memref<!tpu.dma_semaphore, #tpu.memory_space<semaphore_mem>>) src(%dma_wait3A_215 : memref<26x64xf32, #tpu.memory_space<vmem>>) dst(%dma_wait3A_211 : memref<26x64xf32, #tpu.memory_space<hbm>>)
    %add3A_216 = arith.constant 120 : i32
    %add3A_217 = arith.addi %mul3A_2, %add3A_216 : i32
    %add3A_218 = arith.constant 0 : i32
    %add3A_219 = arith.addi %add3A_217, %add3A_218 : i32
    %dma_wait3A_220 = arith.constant 2 : i32
    %dma_wait3A_221 = arith.constant 0 : i32
    %dma_wait3A_222 = arith.constant 0 : i32
    %dma_wait3A_223 = tpu.memref_slice %arg6[%dma_wait3A_220, %dma_wait3A_221, %dma_wait3A_222] : memref<4x104x64xf32, #tpu.memory_space<vmem>> -> memref<1x26x64xf32, #tpu.memory_space<vmem>>
    %dma_wait3A_224 = tpu.memref_squeeze %dma_wait3A_223 : memref<1x26x64xf32, #tpu.memory_space<vmem>> -> memref<26x64xf32, #tpu.memory_space<vmem>>
    %dma_wait3A_225 = arith.constant 0 : i32
    %dma_wait3A_226 = arith.constant 0 : i32
    %dma_wait3A_227 = tpu.memref_slice %arg4[%add3A_219, %dma_wait3A_225, %dma_wait3A_226] : memref<4096x32x128xf32, #tpu.memory_space<hbm>> -> memref<1x26x64xf32, #tpu.memory_space<hbm>>
    %dma_wait3A_228 = tpu.memref_squeeze %dma_wait3A_227 : memref<1x26x64xf32, #tpu.memory_space<hbm>> -> memref<26x64xf32, #tpu.memory_space<hbm>>
    %dma_wait3A_229 = arith.constant 0 : i32
    %dma_wait3A_230 = arith.constant 0 : i32
    %dma_wait3A_231 = tpu.memref_slice %arg4[%add3A_219, %dma_wait3A_229, %dma_wait3A_230] : memref<4096x32x128xf32, #tpu.memory_space<hbm>> -> memref<1x26x64xf32, #tpu.memory_space<hbm>>
    %dma_wait3A_232 = tpu.memref_squeeze %dma_wait3A_231 : memref<1x26x64xf32, #tpu.memory_space<hbm>> -> memref<26x64xf32, #tpu.memory_space<hbm>>
    %dma_wait3A_233 = arith.constant 0 : i32
    %dma_wait3A_234 = arith.constant 0 : i32
    %dma_wait3A_235 = tpu.memref_slice %arg6[%dma_wait3A_220, %dma_wait3A_233, %dma_wait3A_234] : memref<4x104x64xf32, #tpu.memory_space<vmem>> -> memref<1x26x64xf32, #tpu.memory_space<vmem>>
    %dma_wait3A_236 = tpu.memref_squeeze %dma_wait3A_235 : memref<1x26x64xf32, #tpu.memory_space<vmem>> -> memref<26x64xf32, #tpu.memory_space<vmem>>
    tpu.wait_dma2 semaphore(%arg13 : memref<!tpu.dma_semaphore, #tpu.memory_space<semaphore_mem>>) src(%dma_wait3A_236 : memref<26x64xf32, #tpu.memory_space<vmem>>) dst(%dma_wait3A_232 : memref<26x64xf32, #tpu.memory_space<hbm>>)
    %add3A_237 = arith.constant 120 : i32
    %add3A_238 = arith.addi %mul3A_2, %add3A_237 : i32
    %add3A_239 = arith.constant 1 : i32
    %add3A_240 = arith.addi %add3A_238, %add3A_239 : i32
    %dma_wait3A_241 = arith.constant 2 : i32
    %dma_wait3A_242 = arith.constant 26 : i32
    %dma_wait3A_243 = arith.constant 0 : i32
    %dma_wait3A_244 = tpu.memref_slice %arg6[%dma_wait3A_241, %dma_wait3A_242, %dma_wait3A_243] : memref<4x104x64xf32, #tpu.memory_space<vmem>> -> memref<1x26x64xf32, #tpu.memory_space<vmem>>
    %dma_wait3A_245 = tpu.memref_squeeze %dma_wait3A_244 : memref<1x26x64xf32, #tpu.memory_space<vmem>> -> memref<26x64xf32, #tpu.memory_space<vmem>>
    %dma_wait3A_246 = arith.constant 0 : i32
    %dma_wait3A_247 = arith.constant 0 : i32
    %dma_wait3A_248 = tpu.memref_slice %arg4[%add3A_240, %dma_wait3A_246, %dma_wait3A_247] : memref<4096x32x128xf32, #tpu.memory_space<hbm>> -> memref<1x26x64xf32, #tpu.memory_space<hbm>>
    %dma_wait3A_249 = tpu.memref_squeeze %dma_wait3A_248 : memref<1x26x64xf32, #tpu.memory_space<hbm>> -> memref<26x64xf32, #tpu.memory_space<hbm>>
    %dma_wait3A_250 = arith.constant 0 : i32
    %dma_wait3A_251 = arith.constant 0 : i32
    %dma_wait3A_252 = tpu.memref_slice %arg4[%add3A_240, %dma_wait3A_250, %dma_wait3A_251] : memref<4096x32x128xf32, #tpu.memory_space<hbm>> -> memref<1x26x64xf32, #tpu.memory_space<hbm>>
    %dma_wait3A_253 = tpu.memref_squeeze %dma_wait3A_252 : memref<1x26x64xf32, #tpu.memory_space<hbm>> -> memref<26x64xf32, #tpu.memory_space<hbm>>
    %dma_wait3A_254 = arith.constant 26 : i32
    %dma_wait3A_255 = arith.constant 0 : i32
    %dma_wait3A_256 = tpu.memref_slice %arg6[%dma_wait3A_241, %dma_wait3A_254, %dma_wait3A_255] : memref<4x104x64xf32, #tpu.memory_space<vmem>> -> memref<1x26x64xf32, #tpu.memory_space<vmem>>
    %dma_wait3A_257 = tpu.memref_squeeze %dma_wait3A_256 : memref<1x26x64xf32, #tpu.memory_space<vmem>> -> memref<26x64xf32, #tpu.memory_space<vmem>>
    tpu.wait_dma2 semaphore(%arg13 : memref<!tpu.dma_semaphore, #tpu.memory_space<semaphore_mem>>) src(%dma_wait3A_257 : memref<26x64xf32, #tpu.memory_space<vmem>>) dst(%dma_wait3A_253 : memref<26x64xf32, #tpu.memory_space<hbm>>)
    %add3A_258 = arith.constant 120 : i32
    %add3A_259 = arith.addi %mul3A_2, %add3A_258 : i32
    %add3A_260 = arith.constant 2 : i32
    %add3A_261 = arith.addi %add3A_259, %add3A_260 : i32
    %dma_wait3A_262 = arith.constant 2 : i32
    %dma_wait3A_263 = arith.constant 52 : i32
    %dma_wait3A_264 = arith.constant 0 : i32
    %dma_wait3A_265 = tpu.memref_slice %arg6[%dma_wait3A_262, %dma_wait3A_263, %dma_wait3A_264] : memref<4x104x64xf32, #tpu.memory_space<vmem>> -> memref<1x26x64xf32, #tpu.memory_space<vmem>>
    %dma_wait3A_266 = tpu.memref_squeeze %dma_wait3A_265 : memref<1x26x64xf32, #tpu.memory_space<vmem>> -> memref<26x64xf32, #tpu.memory_space<vmem>>
    %dma_wait3A_267 = arith.constant 0 : i32
    %dma_wait3A_268 = arith.constant 0 : i32
    %dma_wait3A_269 = tpu.memref_slice %arg4[%add3A_261, %dma_wait3A_267, %dma_wait3A_268] : memref<4096x32x128xf32, #tpu.memory_space<hbm>> -> memref<1x26x64xf32, #tpu.memory_space<hbm>>
    %dma_wait3A_270 = tpu.memref_squeeze %dma_wait3A_269 : memref<1x26x64xf32, #tpu.memory_space<hbm>> -> memref<26x64xf32, #tpu.memory_space<hbm>>
    %dma_wait3A_271 = arith.constant 0 : i32
    %dma_wait3A_272 = arith.constant 0 : i32
    %dma_wait3A_273 = tpu.memref_slice %arg4[%add3A_261, %dma_wait3A_271, %dma_wait3A_272] : memref<4096x32x128xf32, #tpu.memory_space<hbm>> -> memref<1x26x64xf32, #tpu.memory_space<hbm>>
    %dma_wait3A_274 = tpu.memref_squeeze %dma_wait3A_273 : memref<1x26x64xf32, #tpu.memory_space<hbm>> -> memref<26x64xf32, #tpu.memory_space<hbm>>
    %dma_wait3A_275 = arith.constant 52 : i32
    %dma_wait3A_276 = arith.constant 0 : i32
    %dma_wait3A_277 = tpu.memref_slice %arg6[%dma_wait3A_262, %dma_wait3A_275, %dma_wait3A_276] : memref<4x104x64xf32, #tpu.memory_space<vmem>> -> memref<1x26x64xf32, #tpu.memory_space<vmem>>
    %dma_wait3A_278 = tpu.memref_squeeze %dma_wait3A_277 : memref<1x26x64xf32, #tpu.memory_space<vmem>> -> memref<26x64xf32, #tpu.memory_space<vmem>>
    tpu.wait_dma2 semaphore(%arg13 : memref<!tpu.dma_semaphore, #tpu.memory_space<semaphore_mem>>) src(%dma_wait3A_278 : memref<26x64xf32, #tpu.memory_space<vmem>>) dst(%dma_wait3A_274 : memref<26x64xf32, #tpu.memory_space<hbm>>)
    %add3A_279 = arith.constant 120 : i32
    %add3A_280 = arith.addi %mul3A_2, %add3A_279 : i32
    %add3A_281 = arith.constant 3 : i32
    %add3A_282 = arith.addi %add3A_280, %add3A_281 : i32
    %dma_wait3A_283 = arith.constant 2 : i32
    %dma_wait3A_284 = arith.constant 78 : i32
    %dma_wait3A_285 = arith.constant 0 : i32
    %dma_wait3A_286 = tpu.memref_slice %arg6[%dma_wait3A_283, %dma_wait3A_284, %dma_wait3A_285] : memref<4x104x64xf32, #tpu.memory_space<vmem>> -> memref<1x26x64xf32, #tpu.memory_space<vmem>>
    %dma_wait3A_287 = tpu.memref_squeeze %dma_wait3A_286 : memref<1x26x64xf32, #tpu.memory_space<vmem>> -> memref<26x64xf32, #tpu.memory_space<vmem>>
    %dma_wait3A_288 = arith.constant 0 : i32
    %dma_wait3A_289 = arith.constant 0 : i32
    %dma_wait3A_290 = tpu.memref_slice %arg4[%add3A_282, %dma_wait3A_288, %dma_wait3A_289] : memref<4096x32x128xf32, #tpu.memory_space<hbm>> -> memref<1x26x64xf32, #tpu.memory_space<hbm>>
    %dma_wait3A_291 = tpu.memref_squeeze %dma_wait3A_290 : memref<1x26x64xf32, #tpu.memory_space<hbm>> -> memref<26x64xf32, #tpu.memory_space<hbm>>
    %dma_wait3A_292 = arith.constant 0 : i32
    %dma_wait3A_293 = arith.constant 0 : i32
    %dma_wait3A_294 = tpu.memref_slice %arg4[%add3A_282, %dma_wait3A_292, %dma_wait3A_293] : memref<4096x32x128xf32, #tpu.memory_space<hbm>> -> memref<1x26x64xf32, #tpu.memory_space<hbm>>
    %dma_wait3A_295 = tpu.memref_squeeze %dma_wait3A_294 : memref<1x26x64xf32, #tpu.memory_space<hbm>> -> memref<26x64xf32, #tpu.memory_space<hbm>>
    %dma_wait3A_296 = arith.constant 78 : i32
    %dma_wait3A_297 = arith.constant 0 : i32
    %dma_wait3A_298 = tpu.memref_slice %arg6[%dma_wait3A_283, %dma_wait3A_296, %dma_wait3A_297] : memref<4x104x64xf32, #tpu.memory_space<vmem>> -> memref<1x26x64xf32, #tpu.memory_space<vmem>>
    %dma_wait3A_299 = tpu.memref_squeeze %dma_wait3A_298 : memref<1x26x64xf32, #tpu.memory_space<vmem>> -> memref<26x64xf32, #tpu.memory_space<vmem>>
    tpu.wait_dma2 semaphore(%arg13 : memref<!tpu.dma_semaphore, #tpu.memory_space<semaphore_mem>>) src(%dma_wait3A_299 : memref<26x64xf32, #tpu.memory_space<vmem>>) dst(%dma_wait3A_295 : memref<26x64xf32, #tpu.memory_space<hbm>>)
    %add3A_300 = arith.constant 124 : i32
    %add3A_301 = arith.addi %mul3A_2, %add3A_300 : i32
    %add3A_302 = arith.constant 0 : i32
    %add3A_303 = arith.addi %add3A_301, %add3A_302 : i32
    %dma_wait3A_304 = arith.constant 3 : i32
    %dma_wait3A_305 = arith.constant 0 : i32
    %dma_wait3A_306 = arith.constant 0 : i32
    %dma_wait3A_307 = tpu.memref_slice %arg6[%dma_wait3A_304, %dma_wait3A_305, %dma_wait3A_306] : memref<4x104x64xf32, #tpu.memory_space<vmem>> -> memref<1x26x64xf32, #tpu.memory_space<vmem>>
    %dma_wait3A_308 = tpu.memref_squeeze %dma_wait3A_307 : memref<1x26x64xf32, #tpu.memory_space<vmem>> -> memref<26x64xf32, #tpu.memory_space<vmem>>
    %dma_wait3A_309 = arith.constant 0 : i32
    %dma_wait3A_310 = arith.constant 0 : i32
    %dma_wait3A_311 = tpu.memref_slice %arg4[%add3A_303, %dma_wait3A_309, %dma_wait3A_310] : memref<4096x32x128xf32, #tpu.memory_space<hbm>> -> memref<1x26x64xf32, #tpu.memory_space<hbm>>
    %dma_wait3A_312 = tpu.memref_squeeze %dma_wait3A_311 : memref<1x26x64xf32, #tpu.memory_space<hbm>> -> memref<26x64xf32, #tpu.memory_space<hbm>>
    %dma_wait3A_313 = arith.constant 0 : i32
    %dma_wait3A_314 = arith.constant 0 : i32
    %dma_wait3A_315 = tpu.memref_slice %arg4[%add3A_303, %dma_wait3A_313, %dma_wait3A_314] : memref<4096x32x128xf32, #tpu.memory_space<hbm>> -> memref<1x26x64xf32, #tpu.memory_space<hbm>>
    %dma_wait3A_316 = tpu.memref_squeeze %dma_wait3A_315 : memref<1x26x64xf32, #tpu.memory_space<hbm>> -> memref<26x64xf32, #tpu.memory_space<hbm>>
    %dma_wait3A_317 = arith.constant 0 : i32
    %dma_wait3A_318 = arith.constant 0 : i32
    %dma_wait3A_319 = tpu.memref_slice %arg6[%dma_wait3A_304, %dma_wait3A_317, %dma_wait3A_318] : memref<4x104x64xf32, #tpu.memory_space<vmem>> -> memref<1x26x64xf32, #tpu.memory_space<vmem>>
    %dma_wait3A_320 = tpu.memref_squeeze %dma_wait3A_319 : memref<1x26x64xf32, #tpu.memory_space<vmem>> -> memref<26x64xf32, #tpu.memory_space<vmem>>
    tpu.wait_dma2 semaphore(%arg14 : memref<!tpu.dma_semaphore, #tpu.memory_space<semaphore_mem>>) src(%dma_wait3A_320 : memref<26x64xf32, #tpu.memory_space<vmem>>) dst(%dma_wait3A_316 : memref<26x64xf32, #tpu.memory_space<hbm>>)
    %add3A_321 = arith.constant 124 : i32
    %add3A_322 = arith.addi %mul3A_2, %add3A_321 : i32
    %add3A_323 = arith.constant 1 : i32
    %add3A_324 = arith.addi %add3A_322, %add3A_323 : i32
    %dma_wait3A_325 = arith.constant 3 : i32
    %dma_wait3A_326 = arith.constant 26 : i32
    %dma_wait3A_327 = arith.constant 0 : i32
    %dma_wait3A_328 = tpu.memref_slice %arg6[%dma_wait3A_325, %dma_wait3A_326, %dma_wait3A_327] : memref<4x104x64xf32, #tpu.memory_space<vmem>> -> memref<1x26x64xf32, #tpu.memory_space<vmem>>
    %dma_wait3A_329 = tpu.memref_squeeze %dma_wait3A_328 : memref<1x26x64xf32, #tpu.memory_space<vmem>> -> memref<26x64xf32, #tpu.memory_space<vmem>>
    %dma_wait3A_330 = arith.constant 0 : i32
    %dma_wait3A_331 = arith.constant 0 : i32
    %dma_wait3A_332 = tpu.memref_slice %arg4[%add3A_324, %dma_wait3A_330, %dma_wait3A_331] : memref<4096x32x128xf32, #tpu.memory_space<hbm>> -> memref<1x26x64xf32, #tpu.memory_space<hbm>>
    %dma_wait3A_333 = tpu.memref_squeeze %dma_wait3A_332 : memref<1x26x64xf32, #tpu.memory_space<hbm>> -> memref<26x64xf32, #tpu.memory_space<hbm>>
    %dma_wait3A_334 = arith.constant 0 : i32
    %dma_wait3A_335 = arith.constant 0 : i32
    %dma_wait3A_336 = tpu.memref_slice %arg4[%add3A_324, %dma_wait3A_334, %dma_wait3A_335] : memref<4096x32x128xf32, #tpu.memory_space<hbm>> -> memref<1x26x64xf32, #tpu.memory_space<hbm>>
    %dma_wait3A_337 = tpu.memref_squeeze %dma_wait3A_336 : memref<1x26x64xf32, #tpu.memory_space<hbm>> -> memref<26x64xf32, #tpu.memory_space<hbm>>
    %dma_wait3A_338 = arith.constant 26 : i32
    %dma_wait3A_339 = arith.constant 0 : i32
    %dma_wait3A_340 = tpu.memref_slice %arg6[%dma_wait3A_325, %dma_wait3A_338, %dma_wait3A_339] : memref<4x104x64xf32, #tpu.memory_space<vmem>> -> memref<1x26x64xf32, #tpu.memory_space<vmem>>
    %dma_wait3A_341 = tpu.memref_squeeze %dma_wait3A_340 : memref<1x26x64xf32, #tpu.memory_space<vmem>> -> memref<26x64xf32, #tpu.memory_space<vmem>>
    tpu.wait_dma2 semaphore(%arg14 : memref<!tpu.dma_semaphore, #tpu.memory_space<semaphore_mem>>) src(%dma_wait3A_341 : memref<26x64xf32, #tpu.memory_space<vmem>>) dst(%dma_wait3A_337 : memref<26x64xf32, #tpu.memory_space<hbm>>)
    %add3A_342 = arith.constant 124 : i32
    %add3A_343 = arith.addi %mul3A_2, %add3A_342 : i32
    %add3A_344 = arith.constant 2 : i32
    %add3A_345 = arith.addi %add3A_343, %add3A_344 : i32
    %dma_wait3A_346 = arith.constant 3 : i32
    %dma_wait3A_347 = arith.constant 52 : i32
    %dma_wait3A_348 = arith.constant 0 : i32
    %dma_wait3A_349 = tpu.memref_slice %arg6[%dma_wait3A_346, %dma_wait3A_347, %dma_wait3A_348] : memref<4x104x64xf32, #tpu.memory_space<vmem>> -> memref<1x26x64xf32, #tpu.memory_space<vmem>>
    %dma_wait3A_350 = tpu.memref_squeeze %dma_wait3A_349 : memref<1x26x64xf32, #tpu.memory_space<vmem>> -> memref<26x64xf32, #tpu.memory_space<vmem>>
    %dma_wait3A_351 = arith.constant 0 : i32
    %dma_wait3A_352 = arith.constant 0 : i32
    %dma_wait3A_353 = tpu.memref_slice %arg4[%add3A_345, %dma_wait3A_351, %dma_wait3A_352] : memref<4096x32x128xf32, #tpu.memory_space<hbm>> -> memref<1x26x64xf32, #tpu.memory_space<hbm>>
    %dma_wait3A_354 = tpu.memref_squeeze %dma_wait3A_353 : memref<1x26x64xf32, #tpu.memory_space<hbm>> -> memref<26x64xf32, #tpu.memory_space<hbm>>
    %dma_wait3A_355 = arith.constant 0 : i32
    %dma_wait3A_356 = arith.constant 0 : i32
    %dma_wait3A_357 = tpu.memref_slice %arg4[%add3A_345, %dma_wait3A_355, %dma_wait3A_356] : memref<4096x32x128xf32, #tpu.memory_space<hbm>> -> memref<1x26x64xf32, #tpu.memory_space<hbm>>
    %dma_wait3A_358 = tpu.memref_squeeze %dma_wait3A_357 : memref<1x26x64xf32, #tpu.memory_space<hbm>> -> memref<26x64xf32, #tpu.memory_space<hbm>>
    %dma_wait3A_359 = arith.constant 52 : i32
    %dma_wait3A_360 = arith.constant 0 : i32
    %dma_wait3A_361 = tpu.memref_slice %arg6[%dma_wait3A_346, %dma_wait3A_359, %dma_wait3A_360] : memref<4x104x64xf32, #tpu.memory_space<vmem>> -> memref<1x26x64xf32, #tpu.memory_space<vmem>>
    %dma_wait3A_362 = tpu.memref_squeeze %dma_wait3A_361 : memref<1x26x64xf32, #tpu.memory_space<vmem>> -> memref<26x64xf32, #tpu.memory_space<vmem>>
    tpu.wait_dma2 semaphore(%arg14 : memref<!tpu.dma_semaphore, #tpu.memory_space<semaphore_mem>>) src(%dma_wait3A_362 : memref<26x64xf32, #tpu.memory_space<vmem>>) dst(%dma_wait3A_358 : memref<26x64xf32, #tpu.memory_space<hbm>>)
    %add3A_363 = arith.constant 124 : i32
    %add3A_364 = arith.addi %mul3A_2, %add3A_363 : i32
    %add3A_365 = arith.constant 3 : i32
    %add3A_366 = arith.addi %add3A_364, %add3A_365 : i32
    %dma_wait3A_367 = arith.constant 3 : i32
    %dma_wait3A_368 = arith.constant 78 : i32
    %dma_wait3A_369 = arith.constant 0 : i32
    %dma_wait3A_370 = tpu.memref_slice %arg6[%dma_wait3A_367, %dma_wait3A_368, %dma_wait3A_369] : memref<4x104x64xf32, #tpu.memory_space<vmem>> -> memref<1x26x64xf32, #tpu.memory_space<vmem>>
    %dma_wait3A_371 = tpu.memref_squeeze %dma_wait3A_370 : memref<1x26x64xf32, #tpu.memory_space<vmem>> -> memref<26x64xf32, #tpu.memory_space<vmem>>
    %dma_wait3A_372 = arith.constant 0 : i32
    %dma_wait3A_373 = arith.constant 0 : i32
    %dma_wait3A_374 = tpu.memref_slice %arg4[%add3A_366, %dma_wait3A_372, %dma_wait3A_373] : memref<4096x32x128xf32, #tpu.memory_space<hbm>> -> memref<1x26x64xf32, #tpu.memory_space<hbm>>
    %dma_wait3A_375 = tpu.memref_squeeze %dma_wait3A_374 : memref<1x26x64xf32, #tpu.memory_space<hbm>> -> memref<26x64xf32, #tpu.memory_space<hbm>>
    %dma_wait3A_376 = arith.constant 0 : i32
    %dma_wait3A_377 = arith.constant 0 : i32
    %dma_wait3A_378 = tpu.memref_slice %arg4[%add3A_366, %dma_wait3A_376, %dma_wait3A_377] : memref<4096x32x128xf32, #tpu.memory_space<hbm>> -> memref<1x26x64xf32, #tpu.memory_space<hbm>>
    %dma_wait3A_379 = tpu.memref_squeeze %dma_wait3A_378 : memref<1x26x64xf32, #tpu.memory_space<hbm>> -> memref<26x64xf32, #tpu.memory_space<hbm>>
    %dma_wait3A_380 = arith.constant 78 : i32
    %dma_wait3A_381 = arith.constant 0 : i32
    %dma_wait3A_382 = tpu.memref_slice %arg6[%dma_wait3A_367, %dma_wait3A_380, %dma_wait3A_381] : memref<4x104x64xf32, #tpu.memory_space<vmem>> -> memref<1x26x64xf32, #tpu.memory_space<vmem>>
    %dma_wait3A_383 = tpu.memref_squeeze %dma_wait3A_382 : memref<1x26x64xf32, #tpu.memory_space<vmem>> -> memref<26x64xf32, #tpu.memory_space<vmem>>
    tpu.wait_dma2 semaphore(%arg14 : memref<!tpu.dma_semaphore, #tpu.memory_space<semaphore_mem>>) src(%dma_wait3A_383 : memref<26x64xf32, #tpu.memory_space<vmem>>) dst(%dma_wait3A_379 : memref<26x64xf32, #tpu.memory_space<hbm>>)
    return
  }
}

</mosaic_0001>

<sc_bundles>
// kernel: kernel.3.cloned.1.call-start
scs
__scs_entry_jumppad:
0x0: {  	(pc) =	sbr.rel $0x88, $3  }
0x1: {  	(tag) =	ssettag $0x0;
	lr =	simm.s32 $0x1  }
0x2: {  	[smem:$0x3F9F] =	sst lr;
	_ =	strace $0xD0000000  }
0x3: {  	_ = 	snop  }
0x4: {  	_ = 	snop  }
0x5: {  	_ = 	snop  }
0x6: {  	_ = 	snop  }
0x7: {  	_ = 	snop  }
__scs_overlays_trampoline_lowered:
0x8: {  	[smem:$0x3FAE] =	sst s0  }
0x9: {  	[smem:$0x3FAF] =	sst s1  }
0xa: {  	[smem:$0x3FB0] =	sst s2  }
0xb: {  	[smem:$0x3FB1] =	sst s3  }
0xc: {  	[smem:$0x3FB2] =	sst s4  }
0xd: {  	[smem:$0x3FB3] =	sst s5  }
0xe: {  	[smem:$0x3FB4] =	sst s6  }
0xf: {  	[smem:$0x3FB5] =	sst s7  }
0x10: {  	[smem:$0x3FB6] =	sst s8  }
0x11: {  	[smem:$0x3FB7] =	sst s9;
	s0 =	simm.s32 @!p0 $0x0  }
0x12: {  	s1 =	sld [smem:$0x3F9D];
	s0 =	simm.s32 @p0 $0x1  }
0x13: {  	[smem:$0x3FB8] =	sst s0;
	s0 =	simm.s32 @!p1 $0x0  }
0x14: {  	s2 =	sld [smem:$0x3F9C];
	s0 =	simm.s32 @p1 $0x1  }
0x15: {  	[smem:$0x3FB9] =	sst s0;
	s0 =	simm.s32 @!p2 $0x0  }
0x16: {  	s3 =	sld [smem:$0x3FDB];
	s0 =	simm.s32 @p2 $0x1  }
0x17: {  	s4 =	simm.s32 $0x1BF5;
	[smem:$0x3FBB] =	sst s0  }
0x18: {  	s0 =	sld [smem:$0x3F9E];
	_ =	swait.ge [sflag:s4], $0x0  }
0x19: {  	s7 =	sld [smem:$0x3F9F]  }
0x1a: {  	s8 =	sadd.s32 $0xFFFFE003, lr  }
0x1b: {  	s9 =	sadd.s32 $0xFFFFFEF7, lr;
	s5 =	simm.s32 $0xFFFFFFFF;
	p2 =	slt.u32 s8, $0xFFFFF086  }
0x1c: {  	p1 =	slt.u32 s9, $0xF7A;
	s5 =	simm.s32 @!p2 $0x0  }
0x1d: {  	s5 =	simm.s32 @p1 $0x1;
	p0 =	seq.s32 s7, s2  }
0x1e: {  	s7 =	smul.u32 @!p0 $0xF7A, s2;
	p2 =	seq.s32 @!p0 s5, $0x0  }
0x1f: {  	s9 =	smul.u32 $0xF7A, s1;
	s8 =	simm.s32 @!p0 $0x1BF5;
	p2 =	por !p2, p0  }
0x20: {  	[sflag:s8] =	ssyncset.s32 @!p0 $0xFFFFF086;
	s6 =	sadd.s32 @!p0 s3, s7;
	s7 =	simm.s32 @!p0 $0x108  }
0x21: {  	s3 =	sadd.s32 s3, s9;
	s6 =	sadd.s32 @!p0 $0x88, s6;
	s7 =	simm.s32 @p2 $0x1082  }
0x22: {  	[simem:s7], [sflag:s8] =	dma.local @!p0 [hbm:s6], $0xF7A  }
0x23: {  	s9 =	sor.u32 $0xD0000000, s2;
	s6 =	simm.s32 $0x108;
	_ =	swait.ge @!p0 [sflag:s8], $0x0  }
0x24: {  	s3 =	sadd.s32 $0x88, s3;
	s6 =	simm.s32 @!p1 $0x1082;
	[sflag:s4] =	ssyncset.s32 $0xFFFFF086  }
0x25: {  	[simem:s6], [sflag:s4] =	dma.local [hbm:s3], $0xF7A  }
0x26: {  	[smem:$0x3F9F] =	sst s1;
	(tag) =	ssettag s2;
	_ =	strace s9  }
0x27: {  	s1 =	sld [smem:$0x3FAF]  }
0x28: {  	s2 =	sld [smem:$0x3FB0]  }
0x29: {  	s4 =	sld [smem:$0x3FB2]  }
0x2a: {  	p0 =	seq.s32 s5, $0x0;
	s5 =	sld [smem:$0x3FB3]  }
0x2b: {  	s6 =	sld [smem:$0x3FB4]  }
0x2c: {  	s7 =	sld [smem:$0x3FB5]  }
0x2d: {  	s3 =	simm.s32 $0x108;
	s8 =	sld [smem:$0x3FB6]  }
0x2e: {  	s3 =	simm.s32 @!p0 $0x1082;
	s9 =	sld [smem:$0x3FB7]  }
0x2f: {  	lr =	sadd.s32 s0, s3;
	s0 =	sld [smem:$0x3FAE]  }
0x30: {  	s3 =	sld [smem:$0x3FB1]  }
0x31: {  	[smem:$0x3FBA] =	sst s10  }
0x32: {  	s10 =	sld [smem:$0x3FB8];
	_ =	sdelay $0x3  }
0x33: {  	p0 =	seq.s32 s10, $0x1;
	s10 =	sld [smem:$0x3FBA];
	_ =	sdelay $0x3  }
0x34: {  	[smem:$0x3FBA] =	sst s10  }
0x35: {  	s10 =	sld [smem:$0x3FB9];
	_ =	sdelay $0x3  }
0x36: {  	p1 =	seq.s32 s10, $0x1;
	s10 =	sld [smem:$0x3FBA];
	_ =	sdelay $0x3  }
0x37: {  	[smem:$0x3FBA] =	sst s10  }
0x38: {  	s10 =	sld [smem:$0x3FBB]  }
0x39: {  	_ = 	snop;
	(pc) =	sbr.ind lr, $3  }
0x3a: {  	_ = 	snop  }
0x3b: {  	_ = 	snop  }
0x3c: {  	p2 =	seq.s32 s10, $0x1;
	s10 =	sld [smem:$0x3FBA]  }
0x3d: {  	_ =	shalt  }
0x3e: {  	_ =	shalt  }
0x3f: {  	_ =	shalt  }
0x40: {  	_ =	shalt  }
0x41: {  	_ =	shalt  }
0x42: {  	_ =	shalt  }
0x43: {  	_ =	shalt  }
0x44: {  	_ =	shalt  }
0x45: {  	_ =	shalt  }
0x46: {  	_ =	shalt  }
0x47: {  	_ =	shalt  }
0x48: {  	_ =	shalt  }
0x49: {  	_ =	shalt  }
0x4a: {  	_ =	shalt  }
0x4b: {  	_ =	shalt  }
0x4c: {  	_ =	shalt  }
0x4d: {  	_ =	shalt  }
0x4e: {  	_ =	shalt  }
0x4f: {  	_ =	shalt  }
0x50: {  	_ =	shalt  }
0x51: {  	_ =	shalt  }
0x52: {  	_ =	shalt  }
0x53: {  	_ =	shalt  }
0x54: {  	_ =	shalt  }
0x55: {  	_ =	shalt  }
0x56: {  	_ =	shalt  }
0x57: {  	_ =	shalt  }
0x58: {  	_ =	shalt  }
0x59: {  	_ =	shalt  }
0x5a: {  	_ =	shalt  }
0x5b: {  	_ =	shalt  }
0x5c: {  	_ =	shalt  }
0x5d: {  	_ =	shalt  }
0x5e: {  	_ =	shalt  }
0x5f: {  	_ =	shalt  }
0x60: {  	_ =	shalt  }
0x61: {  	_ =	shalt  }
0x62: {  	_ =	shalt  }
0x63: {  	_ =	shalt  }
0x64: {  	_ =	shalt  }
0x65: {  	_ =	shalt  }
0x66: {  	_ =	shalt  }
0x67: {  	_ =	shalt  }
0x68: {  	_ =	shalt  }
0x69: {  	_ =	shalt  }
0x6a: {  	_ =	shalt  }
0x6b: {  	_ =	shalt  }
0x6c: {  	_ =	shalt  }
0x6d: {  	_ =	shalt  }
0x6e: {  	_ =	shalt  }
0x6f: {  	_ =	shalt  }
0x70: {  	_ =	shalt  }
0x71: {  	_ =	shalt  }
0x72: {  	_ =	shalt  }
0x73: {  	_ =	shalt  }
0x74: {  	_ =	shalt  }
0x75: {  	_ =	shalt  }
0x76: {  	_ =	shalt  }
0x77: {  	_ =	shalt  }
0x78: {  	_ =	shalt  }
0x79: {  	_ =	shalt  }
0x7a: {  	_ =	shalt  }
0x7b: {  	_ =	shalt  }
0x7c: {  	_ =	shalt  }
0x7d: {  	_ =	shalt  }
0x7e: {  	_ =	shalt  }
0x7f: {  	_ =	shalt  }
0x80: {  	_ =	shalt  }
0x81: {  	_ =	shalt  }
0x82: {  	_ =	shalt  }
0x83: {  	_ =	shalt  }
0x84: {  	_ =	shalt  }
0x85: {  	_ =	shalt  }
0x86: {  	_ =	shalt  }
0x87: {  	_ =	shalt  }
.Lfunc_end0:
.L_simem_size_0:
called_computation_lowered:
.L_overlay_start_0:
0x88: {  	s2 =	sld [smem:$0x3FD9]  }
0x89: {  	s3 =	sld [smem:$0x3FFE];
	_ =	sdelay $0x1  }
0x8a: {  	s1 =	srdreg.scid  }
0x8b: {  	s0 =	sand.u32 $0x1, s1  }
0x8c: {  	s17 =	sshll.u32 s0, $0xA;
	s2 =	sadd.s32 s3, s2  }
0x8d: {  	s2 =	sadd.s32 s2, s17  }
0x8e: {  	[smem:$0x3FC6] =	sst s2  }
0x8f: {  	_ = 	snop  }
0x90: {  	s2 =	sld [smem:$0x3FD0];
	(tm) =	ssettm $0x1  }
0x91: {  	s18 =	sld [smem:$0x3FFB];
	_ =	sdelay $0x3  }
0x92: {  	_ =	strace s18  }
0x93: {  	s3 =	sld [smem:$0x3FFC];
	_ =	sdelay $0x3  }
0x94: {  	_ =	strace s3  }
0x95: {  	s3 =	sld [smem:$0x3FFD];
	_ =	sdelay $0x3  }
0x96: {  	_ =	strace s3  }
0x97: {  	_ =	strace $0x8FFFFFFF  }
0x98: {  	s19 =	sld [smem:$0x3FDB];
	_ =	sdelay $0x1  }
0x99: {  	s4 =	simm.s32 $_scs_section_size  }
0x9a: {  	s5 =	simm.s32 $_size__tile_overlayer_lowered;
	s6 =	simm.s32 $_tile_overlayer_lowered  }
0x9b: {  	s22 =	simm.s32 $0x1BFF;
	s21 =	sshll.u32 s6, $0x1;
	s3 =	sadd.s32 s4, s19  }
0x9c: {  	s7 =	simm.s32 $0x0;
	s20 =	sshll.u32 s5, $0x1;
	s5 =	sadd.s32 s21, s3  }
0x9d: {  	[timem:s7], [sflag:s22] =	dma.local [hbm:s5], s20  }
0x9e: {  	_ =	swait.ge [sflag:s22], s20  }
0x9f: {  	s4 =	ssub.s32 $0x0, s20;
	[sflag:s22] =	ssyncset.done $0x0  }
0xa0: {  	[sflag:s22] =	ssyncadd.s32 s4;
	_ =	sdelay $0x1  }
0xa1: {  	s23 =	simm.s32 $0x1B8B  }
0xa2: {  	_ =	swait.ge [sflag:s23], $0x1  }
0xa3: {  	[sflag:s23] =	ssyncset.done $0x0  }
0xa4: {  	s25 =	simm.s32 $0x1B8E;
	s24 =	sld [smem:$0x3FFE];
	[sflag:s23] =	ssyncadd.s32 $0xFFFFFFFF  }
0xa5: {  	s26 =	simm.s32 $execute0_lowered;
	[smem:$0x3FD2] =	sst s25  }
0xa6: {  	s5 =	sshll.u32 s26, $0x1;
	_ =	strace $0x80000046;
	[dreg:$0x1] =	wrdreg $0xFFFFFFFF  }
0xa7: {  	s28 =	simm.s32 $_size_execute0_lowered;
	s3 =	sadd.s32 s3, s5;
	[dreg:$0x0] =	wrdreg $0x0  }
0xa8: {  	s5 =	sshll.u32 s28, $0x1;
	[dreg:$0x2] =	wrdreg s3  }
0xa9: {  	[dreg:$0x3] =	wrdreg s5  }
0xaa: {  	[dreg:$0x4] =	wrdreg $0xC0  }
0xab: {  	_ =	task [dreg:s7], $0x5FFFF  }
0xac: {  	[dreg:$0x1] =	wrdreg $0xFFFFFFFF  }
0xad: {  	[dreg:$0x0] =	wrdreg $0x60  }
0xae: {  	[dreg:$0x2] =	wrdreg s24  }
0xaf: {  	[dreg:$0x3] =	wrdreg s2  }
0xb0: {  	[dreg:$0x4] =	wrdreg $0x9  }
0xb1: {  	_ =	task.clear_ibuf [dreg:s7], $0x5FFFF;
	_ =	strace $0x90000046  }
0xb2: {  	s29 =	simm.s32 $0x9;
	_ =	strace $0x80000048  }
0xb3: {  	_ =	swait.ge [sflag:s29], $0x1  }
0xb4: {  	[sflag:s29] =	ssyncadd.s32 $0xFFFFFFFF  }
0xb5: {  	_ =	strace $0x90000048  }
0xb6: {  	_ =	sfence  }
0xb7: {  	s30 =	sld [smem:$0x0];
	_ =	sdelay $0x2  }
0xb8: {  	s31 =	sshll.u32 s1, $0xD;
	s1 =	sshrl.u32 s1, $0x2  }
0xb9: {  	s3 =	sand.u32 $0x4000, s31;
	s1 =	sadd.s32 s1, s30  }
0xba: {  	s0 =	sor.u32 s3, s0;
	s1 =	sshll.u32 s1, $0x11  }
0xbb: {  	s0 =	sor.u32 s1, s0  }
0xbc: {  	s0 =	sadd.s32 $0x8F2B, s0  }
0xbd: {  	[sflag:s0] =	ssyncadd.remote.s32 $0x1  }
0xbe: {  	_ =	sfence.sel $0xFFFF  }
0xbf: {  	[dreg:$0x0] =	wrdreg $0xFFFFFFFF;
	(pc) =	sbr.abs _section_cstart, $3  }
0xc0: {  	[dreg:$0x1] =	wrdreg $0xFFFFFFFF  }
0xc1: {  	_ =	task.clear_ibuf [dreg:s7], $0x2FFFF;
	_ =	strace $0x9FFFFFFF  }
0xc2: {  	(tm) =	ssettm $0x7FFFFFFF  }
0xc3: {  	_ =	shalt  }
tec
execute0_lowered:
.L_overlay_start_1:
0x0: {  	(tag) =	ssettag $0x1  }
0x1: {  	s0 =	srdreg.scid;
	s1 =	rddreg [dreg:$0x0]  }
0x2: {  	s6 =	stileid.u32;
	s2 =	rddreg [dreg:$0x1]  }
0x3: {  	s4 =	simm.s32 $0x0;
	s11 =	simm.s32 $0x68;
	s15 =	simm.s32 $0x4100  }
0x4: {  	s17 =	simm.s32 $0x5B00;
	s18 =	simm.s32 $0x1;
	s19 =	simm.s32 $0x40  }
0x5: {  	s20 =	simm.s32 $0x80;
	s22 =	simm.s32 $0x1A00;
	s23 =	simm.s32 $0x2080  }
0x6: {  	s28 =	simm.s32 $0x3A80;
	s29 =	simm.s32 $0x3;
	s30 =	simm.s32 $0x4780  }
0x7: {  	s31 =	simm.s32 $0x4E00;
	s14 =	simm.s32 $0x6180;
	s16 =	simm.s32 $0x6800  }
0x8: {  	s10 =	simm.s32 $0x0;
	s0 =	sand.u32 $0x1, s0;
	s3 =	sshll.u32 s6, $0x1  }
0x9: {  	[smem:$0x7FF] =	sst s4;
	s6 =	sshll.u32 s6, $0x11;
	s3 =	sor.u32 s0, s3  }
0xa: {  	s24 =	ssub.s32 $0x2, s0;
	s0 =	sshll.u32 s0, $0x10;
	s3 =	smul.u32 $0x1A0, s3  }
0xb: {  	_ =	strace $0x80000047;
	s5 =	sshrl.u32 s24, $0x1;
	s25 =	sor.u32 s0, s6  }
0xc: {  	s4 =	ssub.s32 s24, s5;
	s24 =	simm.s32 $0x2;
	s3 =	sadd.s32 s3, s1  }
0xd: {  	s1 =	sadd.s32 $0x3800, s1;
	s4 =	smax.u32 s4, $0x1;
	s3 =	sadd.s32 $0x400, s3  }
.Ltmp0:
0xe: {  	s26 =	sadd.s32 s6, s1;
	s1 =	sadd.s32 s25, s1;
	(pc) =	sbr.rel .LBB2_1-.Ltmp0, $4  }
0xf: {  	[dreg:$0x4] =	wrdreg s4;
	s25 =	simm.s32 $0x2D80;
	s4 =	simm.s32 $0x8  }
0x10: {  	[dreg:$0x3] =	wrdreg s3;
	s6 =	sadd.s32 s0, s26;
	s7 =	sadd.s32 $0x1800, s1  }
0x11: {  	s8 =	sadd.s32 $0x1000, s1;
	s9 =	sadd.s32 $0x800, s1;
	s26 =	simm.s32 $0x3400  }
0x12: {  	s1 =	simm.s32 $0x5480;
	s0 =	simm.s32 $0x4;
	s3 =	simm.s32 $0x6E80  }
.LBB2_4:
0x13: {  	s5 =	simm.s32 $0x5  }
0x14: {  	_ =	swait.ge [sflag:s5], $0x680  }
0x15: {  	[sflag:s5] =	ssyncset.done $0x0  }
0x16: {  	[sflag:s5] =	ssyncadd.s32 $0xFFFFF980  }
0x17: {  	_ =	swait.ge [sflag:s5], $0x680  }
0x18: {  	[sflag:s5] =	ssyncset.done $0x0  }
0x19: {  	[sflag:s5] =	ssyncadd.s32 $0xFFFFF980  }
0x1a: {  	_ =	swait.ge [sflag:s5], $0x680  }
0x1b: {  	[sflag:s5] =	ssyncset.done $0x0  }
0x1c: {  	[sflag:s5] =	ssyncadd.s32 $0xFFFFF980  }
0x1d: {  	_ =	swait.ge [sflag:s5], $0x680  }
0x1e: {  	[sflag:s5] =	ssyncset.done $0x0  }
0x1f: {  	s12 =	simm.s32 $0x6;
	[sflag:s5] =	ssyncadd.s32 $0xFFFFF980  }
0x20: {  	_ =	swait.ge [sflag:s12], $0x680  }
0x21: {  	[sflag:s12] =	ssyncset.done $0x0  }
0x22: {  	[sflag:s12] =	ssyncadd.s32 $0xFFFFF980  }
0x23: {  	_ =	swait.ge [sflag:s12], $0x680  }
0x24: {  	[sflag:s12] =	ssyncset.done $0x0  }
0x25: {  	[sflag:s12] =	ssyncadd.s32 $0xFFFFF980  }
0x26: {  	_ =	swait.ge [sflag:s12], $0x680  }
0x27: {  	[sflag:s12] =	ssyncset.done $0x0  }
0x28: {  	[sflag:s12] =	ssyncadd.s32 $0xFFFFF980  }
0x29: {  	_ =	swait.ge [sflag:s12], $0x680  }
0x2a: {  	[sflag:s12] =	ssyncset.done $0x0  }
0x2b: {  	s13 =	simm.s32 $0x7;
	[sflag:s12] =	ssyncadd.s32 $0xFFFFF980  }
0x2c: {  	_ =	swait.ge [sflag:s13], $0x680  }
0x2d: {  	[sflag:s13] =	ssyncset.done $0x0  }
0x2e: {  	[sflag:s13] =	ssyncadd.s32 $0xFFFFF980  }
0x2f: {  	_ =	swait.ge [sflag:s13], $0x680  }
0x30: {  	[sflag:s13] =	ssyncset.done $0x0  }
0x31: {  	[sflag:s13] =	ssyncadd.s32 $0xFFFFF980  }
0x32: {  	_ =	swait.ge [sflag:s13], $0x680  }
0x33: {  	[sflag:s13] =	ssyncset.done $0x0  }
0x34: {  	[sflag:s13] =	ssyncadd.s32 $0xFFFFF980  }
0x35: {  	_ =	swait.ge [sflag:s13], $0x680  }
0x36: {  	[sflag:s13] =	ssyncset.done $0x0  }
0x37: {  	[sflag:s13] =	ssyncadd.s32 $0xFFFFF980  }
0x38: {  	_ =	swait.ge [sflag:s4], $0x680  }
0x39: {  	[sflag:s4] =	ssyncset.done $0x0  }
0x3a: {  	[sflag:s4] =	ssyncadd.s32 $0xFFFFF980  }
0x3b: {  	_ =	swait.ge [sflag:s4], $0x680  }
0x3c: {  	[sflag:s4] =	ssyncset.done $0x0  }
0x3d: {  	[sflag:s4] =	ssyncadd.s32 $0xFFFFF980  }
0x3e: {  	_ =	swait.ge [sflag:s4], $0x680  }
0x3f: {  	[sflag:s4] =	ssyncset.done $0x0  }
0x40: {  	[sflag:s4] =	ssyncadd.s32 $0xFFFFF980  }
0x41: {  	_ =	swait.ge [sflag:s4], $0x680  }
0x42: {  	s10 =	rddreg [dreg:$0x5]  }
0x43: {  	s21 =	rddreg [dreg:$0x4];
	s10 =	sadd.s32 $0x1, s10  }
0x44: {  	p0 =	sne.s32 s10, s21  }
.Ltmp1:
0x45: {  	_ = 	snop;
	(pc) =	sbr.rel @!p0 .LBB2_5-.Ltmp1, $3  }
0x46: {  	_ =	sdelay $0x1  }
0x47: {  	[sflag:s4] =	ssyncset.done $0x0  }
0x48: {  	[sflag:s4] =	ssyncadd.s32 $0xFFFFF980  }
.LBB2_1:
0x49: {  	[dreg:$0x5] =	wrdreg s10  }
0x4a: {  	s5 =	simm.s32 $0x0;
	s12 =	rddreg [dreg:$0x3];
	s13 =	simm.s32 $0x9  }
0x4b: {  	[tilespmem:s5], [sflag:$0x9] =	stream.linear.gather [hbm4b:s12+s5], $0xD00, $0x38;
	[tilespmem:$0x7500] =	vst v63  }
0x4c: {  	_ =	swait.ge [sflag:s13], $0xD00  }
0x4d: {  	[sflag:s13] =	ssyncset.done $0x0  }
0x4e: {  	s21 =	simm.s32 $0xD00;
	[sflag:s13] =	ssyncadd.s32 $0xFFFFF300  }
0x4f: {  	[tilespmem:s21], [sflag:$0x1] =	stream.indirect.gather [hbm4b:s2+s11], $0x40, s5, s11, $0xb8;
	[tilespmem:$0x7500] =	vst v63  }
0x50: {  	s12 =	simm.s32 $0x2700  }
0x51: {  	[tilespmem:s12], [sflag:$0x2] =	stream.indirect.gather [hbm4b:s2+s11], $0x40, s11, s11, $0xb8;
	[tilespmem:$0x7500] =	vst v63  }
0x52: {  	s13 =	simm.s32 $0xD0  }
0x53: {  	[tilespmem:s15], [sflag:$0x3] =	stream.indirect.gather [hbm4b:s2+s11], $0x40, s13, s11, $0xb8;
	[tilespmem:$0x7500] =	vst v63  }
0x54: {  	s10 =	simm.s32 $0x2D8;
	s21 =	simm.s32 $0x138;
	s5 =	simm.s32 $0x0  }
0x55: {  	[tilespmem:s17], [sflag:$0x4] =	stream.indirect.gather [hbm4b:s2+s11], $0x40, s21, s11, $0xb8;
	[tilespmem:$0x7500] =	vst v63  }
.LBB2_2:
0x56: {  	_ =	swait.ge [sflag:s18], $0x1A00  }
0x57: {  	[sflag:s18] =	ssyncset.done $0x0  }
0x58: {  	s12 =	sadd.s32 s5, s6;
	s13 =	simm.s32 $0xD00;
	[sflag:s18] =	ssyncadd.s32 $0xFFFFE600  }
0x59: {  	[hbm4b:s12+s19] =	stream.strided.scatter [tilespmem:s13], [sflag:$0x5], $0x680, s20, s19, $0x38;
	[tilespmem:$0x7500] =	vst v63  }
0x5a: {  	s21 =	simm.s32 $0x1380;
	s13 =	sadd.s32 $0x200, s12  }
0x5b: {  	[hbm4b:s13+s19] =	stream.strided.scatter [tilespmem:s21], [sflag:$0x5], $0x680, s20, s19, $0x38;
	[tilespmem:$0x7500] =	vst v63  }
0x5c: {  	s21 =	sadd.s32 $0x400, s12  }
0x5d: {  	[hbm4b:s21+s19] =	stream.strided.scatter [tilespmem:s22], [sflag:$0x5], $0x680, s20, s19, $0x38;
	[tilespmem:$0x7500] =	vst v63  }
0x5e: {  	p0 =	seq.s32 s5, $0xE000;
	s12 =	sadd.s32 $0x600, s12  }
0x5f: {  	[hbm4b:s12+s19] =	stream.strided.scatter [tilespmem:s23], [sflag:$0x5], $0x680, s20, s19, $0x38;
	[tilespmem:$0x7500] =	vst v63  }
0x60: {  	s12 =	simm.s32 @!p0 $0x5  }
0x61: {  	_ =	swait.ge @!p0 [sflag:s12], $0x680  }
0x62: {  	[sflag:s12] =	ssyncset.done @!p0 $0x0  }
0x63: {  	[sflag:s12] =	ssyncadd.s32 @!p0 $0xFFFFF980  }
0x64: {  	_ =	swait.ge @!p0 [sflag:s12], $0x680  }
0x65: {  	[sflag:s12] =	ssyncset.done @!p0 $0x0  }
0x66: {  	[sflag:s12] =	ssyncadd.s32 @!p0 $0xFFFFF980  }
0x67: {  	_ =	swait.ge @!p0 [sflag:s12], $0x680  }
0x68: {  	[sflag:s12] =	ssyncset.done @!p0 $0x0  }
0x69: {  	[sflag:s12] =	ssyncadd.s32 @!p0 $0xFFFFF980  }
0x6a: {  	_ =	swait.ge @!p0 [sflag:s12], $0x680  }
0x6b: {  	s13 =	simm.s32 @!p0 $0x68;
	[sflag:s12] =	ssyncset.done @!p0 $0x0  }
0x6c: {  	s21 =	simm.s32 @!p0 $0xD00;
	[sflag:s12] =	ssyncadd.s32 @!p0 $0xFFFFF980;
	s12 =	sadd.s32 @!p0 $0xFFFFFEC8, s10  }
0x6d: {  	[tilespmem:s21], [sflag:$0x1] =	stream.indirect.gather @!p0 [hbm4b:s2+s13], $0x40, s12, s13, $0xb8;
	[tilespmem:$0x7500] =	vst v63  }
0x6e: {  	_ =	swait.ge [sflag:s24], $0x1A00  }
0x6f: {  	[sflag:s24] =	ssyncset.done $0x0  }
0x70: {  	s12 =	sadd.s32 s5, s9;
	s21 =	simm.s32 $0x2700;
	[sflag:s24] =	ssyncadd.s32 $0xFFFFE600  }
0x71: {  	[hbm4b:s12+s19] =	stream.strided.scatter [tilespmem:s21], [sflag:$0x6], $0x680, s20, s19, $0x38;
	[tilespmem:$0x7500] =	vst v63  }
0x72: {  	s21 =	sadd.s32 $0x200, s12  }
0x73: {  	[hbm4b:s21+s19] =	stream.strided.scatter [tilespmem:s25], [sflag:$0x6], $0x680, s20, s19, $0x38;
	[tilespmem:$0x7500] =	vst v63  }
0x74: {  	s21 =	sadd.s32 $0x400, s12  }
0x75: {  	[hbm4b:s21+s19] =	stream.strided.scatter [tilespmem:s26], [sflag:$0x6], $0x680, s20, s19, $0x38;
	[tilespmem:$0x7500] =	vst v63  }
0x76: {  	s12 =	sadd.s32 $0x600, s12  }
0x77: {  	[hbm4b:s12+s19] =	stream.strided.scatter [tilespmem:s28], [sflag:$0x6], $0x680, s20, s19, $0x38;
	[tilespmem:$0x7500] =	vst v63  }
0x78: {  	s12 =	simm.s32 @!p0 $0x6  }
0x79: {  	_ =	swait.ge @!p0 [sflag:s12], $0x680  }
0x7a: {  	[sflag:s12] =	ssyncset.done @!p0 $0x0  }
0x7b: {  	[sflag:s12] =	ssyncadd.s32 @!p0 $0xFFFFF980  }
0x7c: {  	_ =	swait.ge @!p0 [sflag:s12], $0x680  }
0x7d: {  	[sflag:s12] =	ssyncset.done @!p0 $0x0  }
0x7e: {  	[sflag:s12] =	ssyncadd.s32 @!p0 $0xFFFFF980  }
0x7f: {  	_ =	swait.ge @!p0 [sflag:s12], $0x680  }
0x80: {  	[sflag:s12] =	ssyncset.done @!p0 $0x0  }
0x81: {  	[sflag:s12] =	ssyncadd.s32 @!p0 $0xFFFFF980  }
0x82: {  	_ =	swait.ge @!p0 [sflag:s12], $0x680  }
0x83: {  	[sflag:s12] =	ssyncset.done @!p0 $0x0  }
0x84: {  	s21 =	simm.s32 @!p0 $0x2700;
	[sflag:s12] =	ssyncadd.s32 @!p0 $0xFFFFF980;
	s12 =	sadd.s32 @!p0 $0xFFFFFF30, s10  }
0x85: {  	[tilespmem:s21], [sflag:$0x2] =	stream.indirect.gather @!p0 [hbm4b:s2+s13], $0x40, s12, s13, $0xb8;
	[tilespmem:$0x7500] =	vst v63  }
0x86: {  	_ =	swait.ge [sflag:s29], $0x1A00  }
0x87: {  	[sflag:s29] =	ssyncset.done $0x0  }
0x88: {  	s12 =	sadd.s32 s5, s8;
	[sflag:s29] =	ssyncadd.s32 $0xFFFFE600  }
0x89: {  	[hbm4b:s12+s19] =	stream.strided.scatter [tilespmem:s15], [sflag:$0x7], $0x680, s20, s19, $0x38;
	[tilespmem:$0x7500] =	vst v63  }
0x8a: {  	s21 =	sadd.s32 $0x200, s12  }
0x8b: {  	[hbm4b:s21+s19] =	stream.strided.scatter [tilespmem:s30], [sflag:$0x7], $0x680, s20, s19, $0x38;
	[tilespmem:$0x7500] =	vst v63  }
0x8c: {  	s21 =	sadd.s32 $0x400, s12  }
0x8d: {  	[hbm4b:s21+s19] =	stream.strided.scatter [tilespmem:s31], [sflag:$0x7], $0x680, s20, s19, $0x38;
	[tilespmem:$0x7500] =	vst v63  }
0x8e: {  	s12 =	sadd.s32 $0x600, s12  }
0x8f: {  	[hbm4b:s12+s19] =	stream.strided.scatter [tilespmem:s1], [sflag:$0x7], $0x680, s20, s19, $0x38;
	[tilespmem:$0x7500] =	vst v63  }
0x90: {  	s12 =	simm.s32 @!p0 $0x7  }
0x91: {  	_ =	swait.ge @!p0 [sflag:s12], $0x680  }
0x92: {  	[sflag:s12] =	ssyncset.done @!p0 $0x0  }
0x93: {  	[sflag:s12] =	ssyncadd.s32 @!p0 $0xFFFFF980  }
0x94: {  	_ =	swait.ge @!p0 [sflag:s12], $0x680  }
0x95: {  	[sflag:s12] =	ssyncset.done @!p0 $0x0  }
0x96: {  	[sflag:s12] =	ssyncadd.s32 @!p0 $0xFFFFF980  }
0x97: {  	_ =	swait.ge @!p0 [sflag:s12], $0x680  }
0x98: {  	[sflag:s12] =	ssyncset.done @!p0 $0x0  }
0x99: {  	[sflag:s12] =	ssyncadd.s32 @!p0 $0xFFFFF980  }
0x9a: {  	_ =	swait.ge @!p0 [sflag:s12], $0x680  }
0x9b: {  	[sflag:s12] =	ssyncset.done @!p0 $0x0  }
0x9c: {  	s21 =	simm.s32 @!p0 $0x4100;
	[sflag:s12] =	ssyncadd.s32 @!p0 $0xFFFFF980;
	s12 =	sadd.s32 @!p0 $0xFFFFFF98, s10  }
0x9d: {  	[tilespmem:s21], [sflag:$0x3] =	stream.indirect.gather @!p0 [hbm4b:s2+s13], $0x40, s12, s13, $0xb8;
	[tilespmem:$0x7500] =	vst v63  }
0x9e: {  	_ =	swait.ge [sflag:s0], $0x1A00  }
0x9f: {  	[sflag:s0] =	ssyncset.done $0x0  }
0xa0: {  	s12 =	sadd.s32 s5, s7;
	[sflag:s0] =	ssyncadd.s32 $0xFFFFE600  }
0xa1: {  	[hbm4b:s12+s19] =	stream.strided.scatter [tilespmem:s17], [sflag:$0x8], $0x680, s20, s19, $0x38;
	[tilespmem:$0x7500] =	vst v63  }
0xa2: {  	s21 =	sadd.s32 $0x200, s12  }
0xa3: {  	[hbm4b:s21+s19] =	stream.strided.scatter [tilespmem:s14], [sflag:$0x8], $0x680, s20, s19, $0x38;
	[tilespmem:$0x7500] =	vst v63  }
.Ltmp2:
0xa4: {  	_ = 	snop;
	(pc) =	sbr.rel @p0 .LBB2_4-.Ltmp2, $4  }
0xa5: {  	s21 =	sadd.s32 $0x400, s12  }
0xa6: {  	[hbm4b:s21+s19] =	stream.strided.scatter [tilespmem:s16], [sflag:$0x8], $0x680, s20, s19, $0x38;
	[tilespmem:$0x7500] =	vst v63  }
0xa7: {  	s12 =	sadd.s32 $0x600, s12  }
0xa8: {  	[hbm4b:s12+s19] =	stream.strided.scatter [tilespmem:s3], [sflag:$0x8], $0x680, s20, s19, $0x38;
	[tilespmem:$0x7500] =	vst v63  }
0xa9: {  	_ =	swait.ge [sflag:s4], $0x680  }
0xaa: {  	[sflag:s4] =	ssyncset.done $0x0  }
0xab: {  	[sflag:s4] =	ssyncadd.s32 $0xFFFFF980  }
0xac: {  	_ =	swait.ge [sflag:s4], $0x680  }
0xad: {  	[sflag:s4] =	ssyncset.done $0x0  }
0xae: {  	[sflag:s4] =	ssyncadd.s32 $0xFFFFF980  }
0xaf: {  	_ =	swait.ge [sflag:s4], $0x680  }
0xb0: {  	[sflag:s4] =	ssyncset.done $0x0  }
0xb1: {  	[sflag:s4] =	ssyncadd.s32 $0xFFFFF980  }
.Ltmp3:
0xb2: {  	_ =	swait.ge [sflag:s4], $0x680;
	(pc) =	sbr.rel .LBB2_2-.Ltmp3, $4  }
0xb3: {  	[sflag:s4] =	ssyncset.done $0x0  }
0xb4: {  	[sflag:s4] =	ssyncadd.s32 $0xFFFFF980  }
0xb5: {  	[tilespmem:s17], [sflag:$0x4] =	stream.indirect.gather [hbm4b:s2+s11], $0x40, s10, s11, $0xb8;
	[tilespmem:$0x7500] =	vst v63  }
0xb6: {  	s5 =	sadd.s32 $0x2000, s5;
	s10 =	sadd.s32 $0x1A0, s10  }
.LBB2_5:
0xb7: {  	_ =	sfence.sel $0x180000  }
0xb8: {  	[bflag:$0x0] =	sbarrier.arrive $0xFFFF  }
0xb9: {  	_ =	strace $0x90000047  }
0xba: {  	s0 =	stileid.u32;
	[bflag:$0x2] =	sbarrier.arrive $0xFFFF  }
0xbb: {  	p0 =	sne.s32 s0, $0x0;
	s0 =	rddreg [dreg:$0x2]  }
0xbc: {  	s0 =	sadd.s32 @!p0 $0x100000, s0  }
0xbd: {  	[sflag:s0] =	ssyncadd.tile.s32 @!p0 $0x1;
	_ =	shalt  }
.Lfunc_end2:
_tile_overlayer_lowered:
.L_overlay_start_2:
0xbe: {  	(tag) =	ssettag $0x2  }
0xbf: {  	s0 =	rddreg [dreg:$0x0];
	s2 =	stileid.u32  }
0xc0: {  	s1 =	rddreg [dreg:$0x1];
	p0 =	sne.s32 s2, $0x0  }
0xc1: {  	s3 =	rddreg [dreg:$0x2];
	[bflag:$0x3] =	sbarrier.arrive $0xFFFF;
	s2 =	simm.s32 @!p0 $0x1C09  }
0xc2: {  	[timem:s3], [sflag:s2] =	dma.local @!p0 [hbm:s0], s1  }
0xc3: {  	s0 =	simm.s32 @!p0 $0x9  }
0xc4: {  	_ =	swait.ge @!p0 [sflag:s0], s1  }
0xc5: {  	s1 =	ssub.s32 @!p0 $0x0, s1;
	[sflag:s0] =	ssyncset.done @!p0 $0x0  }
0xc6: {  	[sflag:s0] =	ssyncadd.s32 @!p0 s1  }
0xc7: {  	[bflag:$0x3] =	sbarrier.arrive $0xFFFF  }
0xc8: {  	_ =	shalt  }

</sc_bundles>
